<compile_context>
chip_gen: v7x
topology: tpu7x:2x2x1
jax: 0.10.2.dev20260603
libtpu: 0.0.44.dev20260713+nightly
codegen_flags: <defaults>
</compile_context>

<pallas_src>
import functools

import jax
import jax.numpy as jnp
from jax import lax
from jax.experimental import pallas as pl
from jax.experimental.pallas import tpu as pltpu
from jax.experimental.pallas import tpu_sc as plsc

N = 16384
C = 256
K = 8192
R = 1024
KC = 2048
WIN = 2736

NW = 32
BPW = N // NW
CH = 128
NCH = BPW // CH


def _argmin_body(x2_ref, e2_ref, x_ref, emb_ref, idx_ref):
    nwin = -(-K // WIN)
    L = 128
    lane = lax.broadcasted_iota(jnp.int32, (R, L), 1)
    wv = [jnp.full((R, L), jnp.inf, jnp.float32) for _ in range(nwin)]
    wi = [jnp.full((R, L), K, jnp.int32) for _ in range(nwin)]
    for c in range(K // KC):
        lo = c * KC
        embc = emb_ref[pl.ds(lo, KC), :]
        mm = lax.dot_general(
            x_ref[:], embc,
            dimension_numbers=(((1,), (1,)), ((), ())),
            preferred_element_type=jnp.float32,
        )
        d = (x2_ref[:] + e2_ref[0:1, pl.ds(lo, KC)]) - mm
        for j in range(KC // L):
            g0 = lo + j * L
            d_j = d[:, j * L:(j + 1) * L]
            col = lane + g0
            w_start = g0 // WIN
            w_end = (g0 + L - 1) // WIN
            for w in range(w_start, w_end + 1):
                take = d_j < wv[w]
                if w_start != w_end:
                    take &= (col >= w * WIN) & (col < (w + 1) * WIN)
                wi[w] = jnp.where(take, col, wi[w])
                wv[w] = jnp.where(take, d_j, wv[w])

    acc = None
    bidx = None
    for w in range(nwin):
        cmin = jnp.min(wv[w], axis=1, keepdims=True)
        cidx = jnp.min(jnp.where(wv[w] == cmin, wi[w], K), axis=1, keepdims=True)
        if acc is None:
            acc = cmin.astype(jnp.bfloat16).astype(jnp.float32)
            bidx = cidx
        else:
            take = cmin < acc
            bidx = jnp.where(take, cidx, bidx)
            acc = jnp.where(take, cmin, acc).astype(jnp.bfloat16).astype(jnp.float32)
    idx_ref[:] = bidx


@functools.lru_cache(maxsize=4)
def _make_argmin_call(nrows):
    return pl.pallas_call(
        _argmin_body,
        grid=(nrows // R,),
        in_specs=[
            pl.BlockSpec((R, 1), lambda i: (i, 0)),
            pl.BlockSpec((1, K), lambda i: (0, 0)),
            pl.BlockSpec((R, C), lambda i: (i, 0)),
            pl.BlockSpec((K, C), lambda i: (0, 0)),
        ],
        out_specs=pl.BlockSpec((R, 1), lambda i: (i, 0)),
        out_shape=jax.ShapeDtypeStruct((nrows, 1), jnp.int32),
        compiler_params=pltpu.CompilerParams(
            dimension_semantics=("arbitrary",),
        ),
    )


@functools.lru_cache(maxsize=4)
def _make_gather_kernel(nrows):
    nc = plsc.get_sparse_core_info().num_cores
    bpw = nrows // NW
    nch = bpw // CH

    @functools.partial(
        pl.kernel,
        out_type=jax.ShapeDtypeStruct((nrows, C), jnp.float32),
        mesh=plsc.VectorSubcoreMesh(core_axis_name="c", subcore_axis_name="s"),
        scratch_types=[
            pltpu.VMEM((nch, CH), jnp.int32),
            pltpu.VMEM((CH, C), jnp.float32),
            pltpu.VMEM((CH, C), jnp.float32),
            pltpu.SemaphoreType.DMA,
            pltpu.SemaphoreType.DMA,
        ],
    )
    def gather_kernel(idx_hbm, emb_hbm, out_hbm, idx_v, buf0, buf1, sem0, sem1):
        wid = lax.axis_index("s") * nc + lax.axis_index("c")
        base = wid * bpw
        pltpu.sync_copy(idx_hbm.at[wid], idx_v)
        bufs = (buf0, buf1)
        sems = (sem0, sem1)
        cp = pltpu.async_copy(emb_hbm.at[idx_v.at[0]], buf0, sem0)
        for j in range(nch):
            cp.wait()
            if j + 1 < nch:
                cp = pltpu.async_copy(
                    emb_hbm.at[idx_v.at[j + 1]], bufs[(j + 1) % 2], sems[(j + 1) % 2]
                )
            pltpu.sync_copy(bufs[j % 2], out_hbm.at[pl.ds(base + j * CH, CH)])

    return gather_kernel


SPLIT = 1


def kernel(x, emb):
    B, _, H, W = x.shape
    x_flat = jnp.transpose(x, (0, 2, 3, 1)).reshape(-1, C)
    x2 = jnp.sum(x_flat ** 2, axis=1, keepdims=True)
    e2 = jnp.sum(emb ** 2, axis=1, keepdims=True).T
    xs = 2.0 * x_flat
    nr = N // SPLIT
    nch = nr // NW // CH
    argmin_call = _make_argmin_call(nr)
    gather = _make_gather_kernel(nr)
    zqs = []
    for h in range(SPLIT):
        sl = slice(h * nr, (h + 1) * nr)
        idx = argmin_call(x2[sl], e2, xs[sl], emb)
        zqs.append(gather(idx.reshape(NW, nch, CH), emb))
    zq_flat = jnp.concatenate(zqs, axis=0)
    z_q = jnp.transpose(zq_flat.reshape(B, H, W, C), (0, 3, 1, 2))
    return (x, z_q)

# --- scband reference (transcript-rebuilt; emitter-appended) ---
"""Pipeline reference for scband-vq-86878598463523 (READ-ONLY COPY).

The authoritative reference and input builder live on the scoring server;
editing this copy changes nothing except your own understanding.
"""

import jax, jax.numpy as jnp
import numpy as np


def setup_inputs(seed: int = 0) -> dict:
    key = jax.random.key(seed)
    k1, k2 = jax.random.split(key)
    x = jax.random.normal(k1, (16, 256, 32, 32), dtype=jnp.float32)
    emb = jax.random.normal(k2, (8192, 256), dtype=jnp.float32)
    return {"x": x, "emb": emb}


def reference(x, emb):
    B, C, H, W = x.shape
    x_flat = jnp.transpose(x, (0, 2, 3, 1)).reshape(-1, C)
    distance = (
        jnp.sum(x_flat ** 2, axis=1, keepdims=True)
        + jnp.sum(emb ** 2, axis=1, keepdims=True).T
        - 2.0 * jnp.matmul(x_flat, emb.T)
    )
    argmin = jnp.argmin(distance, axis=1)
    z_q = jnp.take(emb, argmin, axis=0)
    z_q = jnp.transpose(z_q.reshape(B, H, W, C), (0, 3, 1, 2))
    z_e = z_q + jax.lax.stop_gradient(x - z_q)
    return (z_e, z_q)

if __name__ == "__main__":
    import jax
    _d = setup_inputs()
    print(jax.jit(kernel)(*tuple(_d.values())))

</pallas_src>

<mosaic_0001>
#map = affine_map<(d0, d1) -> (0, 0, 0)>
#map1 = affine_map<(d0, d1) -> (0, 0)>
module attributes {stable_mosaic.version = 14 : i64} {
  func.func @gather_kernel(%arg0: i32, %arg1: i32, %arg2: memref<32x4x128xi32, #tpu.memory_space<hbm>>, %arg3: memref<8192x256xf32, #tpu.memory_space<hbm>>, %arg4: memref<16384x256xf32, #tpu.memory_space<hbm>>, %arg5: memref<4x128xi32, #tpu.memory_space<vmem>>, %arg6: memref<128x256xf32, #tpu.memory_space<vmem>>, %arg7: memref<128x256xf32, #tpu.memory_space<vmem>>, %arg8: memref<!tpu.dma_semaphore, #tpu.memory_space<semaphore_mem>>, %arg9: memref<!tpu.dma_semaphore, #tpu.memory_space<semaphore_mem>>) attributes {dimension_semantics = [#tpu.dimension_semantics<core_parallel>, #tpu.dimension_semantics<subcore_parallel>], iteration_bounds = array<i64: 2, 16>, scalar_prefetch = 0 : i64, scratch_operands = 5 : i64, tpu.core_type = #tpu.core_type<sc_vector_subcore>, window_params = [{transform_indices = #map}, {transform_indices = #map1}, {transform_indices = #map1}]} {
    %mul3A = arith.constant 2 : i32
    %mul3A_0 = arith.muli %arg1, %mul3A : i32
    %add3A = arith.addi %mul3A_0, %arg0 : i32
    %mul3A_1 = arith.constant 512 : i32
    %mul3A_2 = arith.muli %add3A, %mul3A_1 : i32
    "tpu.region"() ({
      %run_scoped3A = tpu.sem_alloc : memref<!tpu.dma_semaphore, #tpu.memory_space<semaphore_mem>>
      %dma_start3A_65 = arith.constant 0 : i32
      %dma_start3A_66 = arith.constant 0 : i32
      %dma_start3A_67 = tpu.memref_slice %arg2[%add3A, %dma_start3A_65, %dma_start3A_66] : memref<32x4x128xi32, #tpu.memory_space<hbm>> -> memref<1x4x128xi32, #tpu.memory_space<hbm>>
      %dma_start3A_68 = tpu.memref_squeeze %dma_start3A_67 : memref<1x4x128xi32, #tpu.memory_space<hbm>> -> memref<4x128xi32, #tpu.memory_space<hbm>>
      %dma_start3A_69 = arith.constant 0 : i32
      %dma_start3A_70 = arith.constant 0 : i32
      %dma_start3A_71 = tpu.memref_slice %arg2[%add3A, %dma_start3A_69, %dma_start3A_70] : memref<32x4x128xi32, #tpu.memory_space<hbm>> -> memref<1x4x128xi32, #tpu.memory_space<hbm>>
      %dma_start3A_72 = tpu.memref_squeeze %dma_start3A_71 : memref<1x4x128xi32, #tpu.memory_space<hbm>> -> memref<4x128xi32, #tpu.memory_space<hbm>>
      tpu.enqueue_dma source(%dma_start3A_72 : memref<4x128xi32, #tpu.memory_space<hbm>>) target(%arg5 : memref<4x128xi32, #tpu.memory_space<vmem>>) target_semaphore(%run_scoped3A : memref<!tpu.dma_semaphore, #tpu.memory_space<semaphore_mem>>)
      %dma_wait3A_73 = arith.constant 0 : i32
      %dma_wait3A_74 = arith.constant 0 : i32
      %dma_wait3A_75 = tpu.memref_slice %arg2[%add3A, %dma_wait3A_73, %dma_wait3A_74] : memref<32x4x128xi32, #tpu.memory_space<hbm>> -> memref<1x4x128xi32, #tpu.memory_space<hbm>>
      %dma_wait3A_76 = tpu.memref_squeeze %dma_wait3A_75 : memref<1x4x128xi32, #tpu.memory_space<hbm>> -> memref<4x128xi32, #tpu.memory_space<hbm>>
      %dma_wait3A_77 = arith.constant 0 : i32
      %dma_wait3A_78 = arith.constant 0 : i32
      %dma_wait3A_79 = tpu.memref_slice %arg2[%add3A, %dma_wait3A_77, %dma_wait3A_78] : memref<32x4x128xi32, #tpu.memory_space<hbm>> -> memref<1x4x128xi32, #tpu.memory_space<hbm>>
      %dma_wait3A_80 = tpu.memref_squeeze %dma_wait3A_79 : memref<1x4x128xi32, #tpu.memory_space<hbm>> -> memref<4x128xi32, #tpu.memory_space<hbm>>
      tpu.wait_dma2 semaphore(%run_scoped3A : memref<!tpu.dma_semaphore, #tpu.memory_space<semaphore_mem>>) src(%dma_wait3A_80 : memref<4x128xi32, #tpu.memory_space<hbm>>) dst(%arg5 : memref<4x128xi32, #tpu.memory_space<vmem>>)
      tpu.yield
    }) : () -> ()
    %dma_start3A = arith.constant 0 : i32
    %dma_start3A_3 = arith.constant 0 : i32
    %dma_start3A_4 = tpu.memref_slice %arg5[%dma_start3A, %dma_start3A_3] : memref<4x128xi32, #tpu.memory_space<vmem>> -> memref<1x128xi32, #tpu.memory_space<vmem>>
    %dma_start3A_5 = tpu.memref_squeeze %dma_start3A_4 : memref<1x128xi32, #tpu.memory_space<vmem>> -> memref<128xi32, #tpu.memory_space<vmem>>
    %dma_start3A_6 = arith.constant 0 : i32
    %dma_start3A_7 = arith.constant 0 : i32
    %dma_start3A_8 = tpu.memref_slice %arg3[%dma_start3A_6, %dma_start3A_7] : memref<8192x256xf32, #tpu.memory_space<hbm>> -> memref<8192x256xf32, #tpu.memory_space<hbm>>
    tpu.enqueue_indirect_dma source(%dma_start3A_8 : memref<8192x256xf32, #tpu.memory_space<hbm>>) target(%arg6 : memref<128x256xf32, #tpu.memory_space<vmem>>) offsets(%dma_start3A_5 : memref<128xi32, #tpu.memory_space<vmem>>) semaphore(%arg8 : memref<!tpu.dma_semaphore, #tpu.memory_space<semaphore_mem>>)
    %dma_wait3A = arith.constant 0 : i32
    %dma_wait3A_9 = arith.constant 0 : i32
    %dma_wait3A_10 = tpu.memref_slice %arg5[%dma_wait3A, %dma_wait3A_9] : memref<4x128xi32, #tpu.memory_space<vmem>> -> memref<1x128xi32, #tpu.memory_space<vmem>>
    %dma_wait3A_11 = tpu.memref_squeeze %dma_wait3A_10 : memref<1x128xi32, #tpu.memory_space<vmem>> -> memref<128xi32, #tpu.memory_space<vmem>>
    %dma_wait3A_12 = arith.constant 0 : i32
    %dma_wait3A_13 = arith.constant 0 : i32
    %dma_wait3A_14 = tpu.memref_slice %arg3[%dma_wait3A_12, %dma_wait3A_13] : memref<8192x256xf32, #tpu.memory_space<hbm>> -> memref<8192x256xf32, #tpu.memory_space<hbm>>
    tpu.wait_indirect_dma semaphore(%arg8 : memref<!tpu.dma_semaphore, #tpu.memory_space<semaphore_mem>>) src(%dma_wait3A_14 : memref<8192x256xf32, #tpu.memory_space<hbm>>) dst(%arg6 : memref<128x256xf32, #tpu.memory_space<vmem>>)
    %dma_start3A_15 = arith.constant 1 : i32
    %dma_start3A_16 = arith.constant 0 : i32
    %dma_start3A_17 = tpu.memref_slice %arg5[%dma_start3A_15, %dma_start3A_16] : memref<4x128xi32, #tpu.memory_space<vmem>> -> memref<1x128xi32, #tpu.memory_space<vmem>>
    %dma_start3A_18 = tpu.memref_squeeze %dma_start3A_17 : memref<1x128xi32, #tpu.memory_space<vmem>> -> memref<128xi32, #tpu.memory_space<vmem>>
    %dma_start3A_19 = arith.constant 0 : i32
    %dma_start3A_20 = arith.constant 0 : i32
    %dma_start3A_21 = tpu.memref_slice %arg3[%dma_start3A_19, %dma_start3A_20] : memref<8192x256xf32, #tpu.memory_space<hbm>> -> memref<8192x256xf32, #tpu.memory_space<hbm>>
    tpu.enqueue_indirect_dma source(%dma_start3A_21 : memref<8192x256xf32, #tpu.memory_space<hbm>>) target(%arg7 : memref<128x256xf32, #tpu.memory_space<vmem>>) offsets(%dma_start3A_18 : memref<128xi32, #tpu.memory_space<vmem>>) semaphore(%arg9 : memref<!tpu.dma_semaphore, #tpu.memory_space<semaphore_mem>>)
    %add3A_22 = arith.constant 0 : i32
    %add3A_23 = arith.addi %mul3A_2, %add3A_22 : i32
    "tpu.region"() ({
      %run_scoped3A = tpu.sem_alloc : memref<!tpu.dma_semaphore, #tpu.memory_space<semaphore_mem>>
      %dma_start3A_65 = arith.constant 0 : i32
      %dma_start3A_66 = tpu.memref_slice %arg4[%add3A_23, %dma_start3A_65] : memref<16384x256xf32, #tpu.memory_space<hbm>> -> memref<128x256xf32, #tpu.memory_space<hbm>>
      %dma_start3A_67 = arith.constant 0 : i32
      %dma_start3A_68 = tpu.memref_slice %arg4[%add3A_23, %dma_start3A_67] : memref<16384x256xf32, #tpu.memory_space<hbm>> -> memref<128x256xf32, #tpu.memory_space<hbm>>
      tpu.enqueue_dma source(%arg6 : memref<128x256xf32, #tpu.memory_space<vmem>>) target(%dma_start3A_68 : memref<128x256xf32, #tpu.memory_space<hbm>>) target_semaphore(%run_scoped3A : memref<!tpu.dma_semaphore, #tpu.memory_space<semaphore_mem>>)
      %dma_wait3A_69 = arith.constant 0 : i32
      %dma_wait3A_70 = tpu.memref_slice %arg4[%add3A_23, %dma_wait3A_69] : memref<16384x256xf32, #tpu.memory_space<hbm>> -> memref<128x256xf32, #tpu.memory_space<hbm>>
      %dma_wait3A_71 = arith.constant 0 : i32
      %dma_wait3A_72 = tpu.memref_slice %arg4[%add3A_23, %dma_wait3A_71] : memref<16384x256xf32, #tpu.memory_space<hbm>> -> memref<128x256xf32, #tpu.memory_space<hbm>>
      tpu.wait_dma2 semaphore(%run_scoped3A : memref<!tpu.dma_semaphore, #tpu.memory_space<semaphore_mem>>) src(%arg6 : memref<128x256xf32, #tpu.memory_space<vmem>>) dst(%dma_wait3A_72 : memref<128x256xf32, #tpu.memory_space<hbm>>)
      tpu.yield
    }) : () -> ()
    %dma_wait3A_24 = arith.constant 1 : i32
    %dma_wait3A_25 = arith.constant 0 : i32
    %dma_wait3A_26 = tpu.memref_slice %arg5[%dma_wait3A_24, %dma_wait3A_25] : memref<4x128xi32, #tpu.memory_space<vmem>> -> memref<1x128xi32, #tpu.memory_space<vmem>>
    %dma_wait3A_27 = tpu.memref_squeeze %dma_wait3A_26 : memref<1x128xi32, #tpu.memory_space<vmem>> -> memref<128xi32, #tpu.memory_space<vmem>>
    %dma_wait3A_28 = arith.constant 0 : i32
    %dma_wait3A_29 = arith.constant 0 : i32
    %dma_wait3A_30 = tpu.memref_slice %arg3[%dma_wait3A_28, %dma_wait3A_29] : memref<8192x256xf32, #tpu.memory_space<hbm>> -> memref<8192x256xf32, #tpu.memory_space<hbm>>
    tpu.wait_indirect_dma semaphore(%arg9 : memref<!tpu.dma_semaphore, #tpu.memory_space<semaphore_mem>>) src(%dma_wait3A_30 : memref<8192x256xf32, #tpu.memory_space<hbm>>) dst(%arg7 : memref<128x256xf32, #tpu.memory_space<vmem>>)
    %dma_start3A_31 = arith.constant 2 : i32
    %dma_start3A_32 = arith.constant 0 : i32
    %dma_start3A_33 = tpu.memref_slice %arg5[%dma_start3A_31, %dma_start3A_32] : memref<4x128xi32, #tpu.memory_space<vmem>> -> memref<1x128xi32, #tpu.memory_space<vmem>>
    %dma_start3A_34 = tpu.memref_squeeze %dma_start3A_33 : memref<1x128xi32, #tpu.memory_space<vmem>> -> memref<128xi32, #tpu.memory_space<vmem>>
    %dma_start3A_35 = arith.constant 0 : i32
    %dma_start3A_36 = arith.constant 0 : i32
    %dma_start3A_37 = tpu.memref_slice %arg3[%dma_start3A_35, %dma_start3A_36] : memref<8192x256xf32, #tpu.memory_space<hbm>> -> memref<8192x256xf32, #tpu.memory_space<hbm>>
    tpu.enqueue_indirect_dma source(%dma_start3A_37 : memref<8192x256xf32, #tpu.memory_space<hbm>>) target(%arg6 : memref<128x256xf32, #tpu.memory_space<vmem>>) offsets(%dma_start3A_34 : memref<128xi32, #tpu.memory_space<vmem>>) semaphore(%arg8 : memref<!tpu.dma_semaphore, #tpu.memory_space<semaphore_mem>>)
    %add3A_38 = arith.constant 128 : i32
    %add3A_39 = arith.addi %mul3A_2, %add3A_38 : i32
    "tpu.region"() ({
      %run_scoped3A = tpu.sem_alloc : memref<!tpu.dma_semaphore, #tpu.memory_space<semaphore_mem>>
      %dma_start3A_65 = arith.constant 0 : i32
      %dma_start3A_66 = tpu.memref_slice %arg4[%add3A_39, %dma_start3A_65] : memref<16384x256xf32, #tpu.memory_space<hbm>> -> memref<128x256xf32, #tpu.memory_space<hbm>>
      %dma_start3A_67 = arith.constant 0 : i32
      %dma_start3A_68 = tpu.memref_slice %arg4[%add3A_39, %dma_start3A_67] : memref<16384x256xf32, #tpu.memory_space<hbm>> -> memref<128x256xf32, #tpu.memory_space<hbm>>
      tpu.enqueue_dma source(%arg7 : memref<128x256xf32, #tpu.memory_space<vmem>>) target(%dma_start3A_68 : memref<128x256xf32, #tpu.memory_space<hbm>>) target_semaphore(%run_scoped3A : memref<!tpu.dma_semaphore, #tpu.memory_space<semaphore_mem>>)
      %dma_wait3A_69 = arith.constant 0 : i32
      %dma_wait3A_70 = tpu.memref_slice %arg4[%add3A_39, %dma_wait3A_69] : memref<16384x256xf32, #tpu.memory_space<hbm>> -> memref<128x256xf32, #tpu.memory_space<hbm>>
      %dma_wait3A_71 = arith.constant 0 : i32
      %dma_wait3A_72 = tpu.memref_slice %arg4[%add3A_39, %dma_wait3A_71] : memref<16384x256xf32, #tpu.memory_space<hbm>> -> memref<128x256xf32, #tpu.memory_space<hbm>>
      tpu.wait_dma2 semaphore(%run_scoped3A : memref<!tpu.dma_semaphore, #tpu.memory_space<semaphore_mem>>) src(%arg7 : memref<128x256xf32, #tpu.memory_space<vmem>>) dst(%dma_wait3A_72 : memref<128x256xf32, #tpu.memory_space<hbm>>)
      tpu.yield
    }) : () -> ()
    %dma_wait3A_40 = arith.constant 2 : i32
    %dma_wait3A_41 = arith.constant 0 : i32
    %dma_wait3A_42 = tpu.memref_slice %arg5[%dma_wait3A_40, %dma_wait3A_41] : memref<4x128xi32, #tpu.memory_space<vmem>> -> memref<1x128xi32, #tpu.memory_space<vmem>>
    %dma_wait3A_43 = tpu.memref_squeeze %dma_wait3A_42 : memref<1x128xi32, #tpu.memory_space<vmem>> -> memref<128xi32, #tpu.memory_space<vmem>>
    %dma_wait3A_44 = arith.constant 0 : i32
    %dma_wait3A_45 = arith.constant 0 : i32
    %dma_wait3A_46 = tpu.memref_slice %arg3[%dma_wait3A_44, %dma_wait3A_45] : memref<8192x256xf32, #tpu.memory_space<hbm>> -> memref<8192x256xf32, #tpu.memory_space<hbm>>
    tpu.wait_indirect_dma semaphore(%arg8 : memref<!tpu.dma_semaphore, #tpu.memory_space<semaphore_mem>>) src(%dma_wait3A_46 : memref<8192x256xf32, #tpu.memory_space<hbm>>) dst(%arg6 : memref<128x256xf32, #tpu.memory_space<vmem>>)
    %dma_start3A_47 = arith.constant 3 : i32
    %dma_start3A_48 = arith.constant 0 : i32
    %dma_start3A_49 = tpu.memref_slice %arg5[%dma_start3A_47, %dma_start3A_48] : memref<4x128xi32, #tpu.memory_space<vmem>> -> memref<1x128xi32, #tpu.memory_space<vmem>>
    %dma_start3A_50 = tpu.memref_squeeze %dma_start3A_49 : memref<1x128xi32, #tpu.memory_space<vmem>> -> memref<128xi32, #tpu.memory_space<vmem>>
    %dma_start3A_51 = arith.constant 0 : i32
    %dma_start3A_52 = arith.constant 0 : i32
    %dma_start3A_53 = tpu.memref_slice %arg3[%dma_start3A_51, %dma_start3A_52] : memref<8192x256xf32, #tpu.memory_space<hbm>> -> memref<8192x256xf32, #tpu.memory_space<hbm>>
    tpu.enqueue_indirect_dma source(%dma_start3A_53 : memref<8192x256xf32, #tpu.memory_space<hbm>>) target(%arg7 : memref<128x256xf32, #tpu.memory_space<vmem>>) offsets(%dma_start3A_50 : memref<128xi32, #tpu.memory_space<vmem>>) semaphore(%arg9 : memref<!tpu.dma_semaphore, #tpu.memory_space<semaphore_mem>>)
    %add3A_54 = arith.constant 256 : i32
    %add3A_55 = arith.addi %mul3A_2, %add3A_54 : i32
    "tpu.region"() ({
      %run_scoped3A = tpu.sem_alloc : memref<!tpu.dma_semaphore, #tpu.memory_space<semaphore_mem>>
      %dma_start3A_65 = arith.constant 0 : i32
      %dma_start3A_66 = tpu.memref_slice %arg4[%add3A_55, %dma_start3A_65] : memref<16384x256xf32, #tpu.memory_space<hbm>> -> memref<128x256xf32, #tpu.memory_space<hbm>>
      %dma_start3A_67 = arith.constant 0 : i32
      %dma_start3A_68 = tpu.memref_slice %arg4[%add3A_55, %dma_start3A_67] : memref<16384x256xf32, #tpu.memory_space<hbm>> -> memref<128x256xf32, #tpu.memory_space<hbm>>
      tpu.enqueue_dma source(%arg6 : memref<128x256xf32, #tpu.memory_space<vmem>>) target(%dma_start3A_68 : memref<128x256xf32, #tpu.memory_space<hbm>>) target_semaphore(%run_scoped3A : memref<!tpu.dma_semaphore, #tpu.memory_space<semaphore_mem>>)
      %dma_wait3A_69 = arith.constant 0 : i32
      %dma_wait3A_70 = tpu.memref_slice %arg4[%add3A_55, %dma_wait3A_69] : memref<16384x256xf32, #tpu.memory_space<hbm>> -> memref<128x256xf32, #tpu.memory_space<hbm>>
      %dma_wait3A_71 = arith.constant 0 : i32
      %dma_wait3A_72 = tpu.memref_slice %arg4[%add3A_55, %dma_wait3A_71] : memref<16384x256xf32, #tpu.memory_space<hbm>> -> memref<128x256xf32, #tpu.memory_space<hbm>>
      tpu.wait_dma2 semaphore(%run_scoped3A : memref<!tpu.dma_semaphore, #tpu.memory_space<semaphore_mem>>) src(%arg6 : memref<128x256xf32, #tpu.memory_space<vmem>>) dst(%dma_wait3A_72 : memref<128x256xf32, #tpu.memory_space<hbm>>)
      tpu.yield
    }) : () -> ()
    %dma_wait3A_56 = arith.constant 3 : i32
    %dma_wait3A_57 = arith.constant 0 : i32
    %dma_wait3A_58 = tpu.memref_slice %arg5[%dma_wait3A_56, %dma_wait3A_57] : memref<4x128xi32, #tpu.memory_space<vmem>> -> memref<1x128xi32, #tpu.memory_space<vmem>>
    %dma_wait3A_59 = tpu.memref_squeeze %dma_wait3A_58 : memref<1x128xi32, #tpu.memory_space<vmem>> -> memref<128xi32, #tpu.memory_space<vmem>>
    %dma_wait3A_60 = arith.constant 0 : i32
    %dma_wait3A_61 = arith.constant 0 : i32
    %dma_wait3A_62 = tpu.memref_slice %arg3[%dma_wait3A_60, %dma_wait3A_61] : memref<8192x256xf32, #tpu.memory_space<hbm>> -> memref<8192x256xf32, #tpu.memory_space<hbm>>
    tpu.wait_indirect_dma semaphore(%arg9 : memref<!tpu.dma_semaphore, #tpu.memory_space<semaphore_mem>>) src(%dma_wait3A_62 : memref<8192x256xf32, #tpu.memory_space<hbm>>) dst(%arg7 : memref<128x256xf32, #tpu.memory_space<vmem>>)
    %add3A_63 = arith.constant 384 : i32
    %add3A_64 = arith.addi %mul3A_2, %add3A_63 : i32
    "tpu.region"() ({
      %run_scoped3A = tpu.sem_alloc : memref<!tpu.dma_semaphore, #tpu.memory_space<semaphore_mem>>
      %dma_start3A_65 = arith.constant 0 : i32
      %dma_start3A_66 = tpu.memref_slice %arg4[%add3A_64, %dma_start3A_65] : memref<16384x256xf32, #tpu.memory_space<hbm>> -> memref<128x256xf32, #tpu.memory_space<hbm>>
      %dma_start3A_67 = arith.constant 0 : i32
      %dma_start3A_68 = tpu.memref_slice %arg4[%add3A_64, %dma_start3A_67] : memref<16384x256xf32, #tpu.memory_space<hbm>> -> memref<128x256xf32, #tpu.memory_space<hbm>>
      tpu.enqueue_dma source(%arg7 : memref<128x256xf32, #tpu.memory_space<vmem>>) target(%dma_start3A_68 : memref<128x256xf32, #tpu.memory_space<hbm>>) target_semaphore(%run_scoped3A : memref<!tpu.dma_semaphore, #tpu.memory_space<semaphore_mem>>)
      %dma_wait3A_69 = arith.constant 0 : i32
      %dma_wait3A_70 = tpu.memref_slice %arg4[%add3A_64, %dma_wait3A_69] : memref<16384x256xf32, #tpu.memory_space<hbm>> -> memref<128x256xf32, #tpu.memory_space<hbm>>
      %dma_wait3A_71 = arith.constant 0 : i32
      %dma_wait3A_72 = tpu.memref_slice %arg4[%add3A_64, %dma_wait3A_71] : memref<16384x256xf32, #tpu.memory_space<hbm>> -> memref<128x256xf32, #tpu.memory_space<hbm>>
      tpu.wait_dma2 semaphore(%run_scoped3A : memref<!tpu.dma_semaphore, #tpu.memory_space<semaphore_mem>>) src(%arg7 : memref<128x256xf32, #tpu.memory_space<vmem>>) dst(%dma_wait3A_72 : memref<128x256xf32, #tpu.memory_space<hbm>>)
      tpu.yield
    }) : () -> ()
    return
  }
}

module attributes {stable_mosaic.version = 14 : i64} {
  func.func @_argmin_body(%arg0: i32, %arg1: memref<1024x1xf32, #tpu.memory_space<vmem>>, %arg2: memref<1x8192xf32, #tpu.memory_space<vmem>>, %arg3: memref<1024x256xf32, #tpu.memory_space<vmem>>, %arg4: memref<8192x256xf32, #tpu.memory_space<vmem>>, %arg5: memref<1024x1xi32, #tpu.memory_space<vmem>>) attributes {dimension_semantics = [#tpu.dimension_semantics<arbitrary>], iteration_bounds = array<i64: 16>, scalar_prefetch = 0 : i64, scratch_operands = 0 : i64, tpu.core_type = #tpu.core_type<tc>, window_params = [{transform_indices = @transform_0, window_bounds = array<i64: 1024, 1>}, {pipeline_mode = #tpu.pipeline_mode<synchronous>, transform_indices = @transform_1, window_bounds = array<i64: 1, 8192>}, {transform_indices = @transform_2, window_bounds = array<i64: 1024, 256>}, {pipeline_mode = #tpu.pipeline_mode<synchronous>, transform_indices = @transform_3, window_bounds = array<i64: 8192, 256>}, {transform_indices = @transform_4, window_bounds = array<i64: 1024, 1>}]} {
    %iota3A = tpu.iota {dimensions = array<i32: 1>} : vector<1024x128xi32>
    %broadcast_in_dim3A = arith.constant 0x7F800000 : f32
    %broadcast_in_dim3A_0 = vector.broadcast %broadcast_in_dim3A : f32 to vector<1024x128xf32>
    %broadcast_in_dim3A_1 = arith.constant 0x7F800000 : f32
    %broadcast_in_dim3A_2 = vector.broadcast %broadcast_in_dim3A_1 : f32 to vector<1024x128xf32>
    %broadcast_in_dim3A_3 = arith.constant 0x7F800000 : f32
    %broadcast_in_dim3A_4 = vector.broadcast %broadcast_in_dim3A_3 : f32 to vector<1024x128xf32>
    %broadcast_in_dim3A_5 = arith.constant 8192 : i32
    %broadcast_in_dim3A_6 = vector.broadcast %broadcast_in_dim3A_5 : i32 to vector<1024x128xi32>
    %broadcast_in_dim3A_7 = arith.constant 8192 : i32
    %broadcast_in_dim3A_8 = vector.broadcast %broadcast_in_dim3A_7 : i32 to vector<1024x128xi32>
    %broadcast_in_dim3A_9 = arith.constant 8192 : i32
    %broadcast_in_dim3A_10 = vector.broadcast %broadcast_in_dim3A_9 : i32 to vector<1024x128xi32>
    %get3A = arith.constant 0 : index
    %get3A_11 = arith.constant 0 : index
    %get3A_12 = vector.load %arg4[%get3A, %get3A_11] : memref<8192x256xf32, #tpu.memory_space<vmem>>, vector<2048x256xf32>
    %get3A_13 = arith.constant 0 : index
    %get3A_14 = arith.constant 0 : index
    %get3A_15 = vector.load %arg3[%get3A_13, %get3A_14] : memref<1024x256xf32, #tpu.memory_space<vmem>>, vector<1024x256xf32>
    %dot_general3A = arith.constant dense<0.000000e+00> : vector<1024x2048xf32>
    %dot_general3A_16 = tpu.matmul %get3A_15, %get3A_12, %dot_general3A {dimension_numbers = #tpu.dot_dimension_numbers<[1], [1], [0], [0], [0, 0, 1, 0], [], []>, transpose_lhs_hint = false} : vector<1024x256xf32>, vector<2048x256xf32>, vector<1024x2048xf32> -> vector<1024x2048xf32>
    %get3A_17 = arith.constant 0 : index
    %get3A_18 = arith.constant 0 : index
    %get3A_19 = vector.load %arg1[%get3A_17, %get3A_18] : memref<1024x1xf32, #tpu.memory_space<vmem>>, vector<1024x1xf32>
    %get3A_20 = arith.constant 0 : index
    %get3A_21 = arith.constant 0 : index
    %get3A_22 = vector.load %arg2[%get3A_20, %get3A_21] : memref<1x8192xf32, #tpu.memory_space<vmem>>, vector<1x2048xf32>
    %add3A = vector.broadcast %get3A_19 : vector<1024x1xf32> to vector<1024x2048xf32>
    %add3A_23 = vector.broadcast %get3A_22 : vector<1x2048xf32> to vector<1024x2048xf32>
    %add3A_24 = arith.addf %add3A, %add3A_23 : vector<1024x2048xf32>
    %sub3A = arith.subf %add3A_24, %dot_general3A_16 : vector<1024x2048xf32>
    %slice3A = vector.extract_strided_slice %sub3A {offsets = [0, 0], sizes = [1024, 128], strides = [1, 1]} : vector<1024x2048xf32> to vector<1024x128xf32>
    %add3A_25 = arith.constant 0 : i32
    %add3A_26 = vector.broadcast %add3A_25 : i32 to vector<1024x128xi32>
    %add3A_27 = arith.addi %iota3A, %add3A_26 : vector<1024x128xi32>
    %lt3A = arith.cmpf olt, %slice3A, %broadcast_in_dim3A_0 : vector<1024x128xf32>
    %select_n3A = arith.select %lt3A, %add3A_27, %broadcast_in_dim3A_6 : vector<1024x128xi1>, vector<1024x128xi32>
    %select_n3A_28 = arith.select %lt3A, %slice3A, %broadcast_in_dim3A_0 : vector<1024x128xi1>, vector<1024x128xf32>
    %slice3A_29 = vector.extract_strided_slice %sub3A {offsets = [0, 128], sizes = [1024, 128], strides = [1, 1]} : vector<1024x2048xf32> to vector<1024x128xf32>
    %add3A_30 = arith.constant 128 : i32
    %add3A_31 = vector.broadcast %add3A_30 : i32 to vector<1024x128xi32>
    %add3A_32 = arith.addi %iota3A, %add3A_31 : vector<1024x128xi32>
    %lt3A_33 = arith.cmpf olt, %slice3A_29, %select_n3A_28 : vector<1024x128xf32>
    %select_n3A_34 = arith.select %lt3A_33, %add3A_32, %select_n3A : vector<1024x128xi1>, vector<1024x128xi32>
    %select_n3A_35 = arith.select %lt3A_33, %slice3A_29, %select_n3A_28 : vector<1024x128xi1>, vector<1024x128xf32>
    %slice3A_36 = vector.extract_strided_slice %sub3A {offsets = [0, 256], sizes = [1024, 128], strides = [1, 1]} : vector<1024x2048xf32> to vector<1024x128xf32>
    %add3A_37 = arith.constant 256 : i32
    %add3A_38 = vector.broadcast %add3A_37 : i32 to vector<1024x128xi32>
    %add3A_39 = arith.addi %iota3A, %add3A_38 : vector<1024x128xi32>
    %lt3A_40 = arith.cmpf olt, %slice3A_36, %select_n3A_35 : vector<1024x128xf32>
    %select_n3A_41 = arith.select %lt3A_40, %add3A_39, %select_n3A_34 : vector<1024x128xi1>, vector<1024x128xi32>
    %select_n3A_42 = arith.select %lt3A_40, %slice3A_36, %select_n3A_35 : vector<1024x128xi1>, vector<1024x128xf32>
    %slice3A_43 = vector.extract_strided_slice %sub3A {offsets = [0, 384], sizes = [1024, 128], strides = [1, 1]} : vector<1024x2048xf32> to vector<1024x128xf32>
    %add3A_44 = arith.constant 384 : i32
    %add3A_45 = vector.broadcast %add3A_44 : i32 to vector<1024x128xi32>
    %add3A_46 = arith.addi %iota3A, %add3A_45 : vector<1024x128xi32>
    %lt3A_47 = arith.cmpf olt, %slice3A_43, %select_n3A_42 : vector<1024x128xf32>
    %select_n3A_48 = arith.select %lt3A_47, %add3A_46, %select_n3A_41 : vector<1024x128xi1>, vector<1024x128xi32>
    %select_n3A_49 = arith.select %lt3A_47, %slice3A_43, %select_n3A_42 : vector<1024x128xi1>, vector<1024x128xf32>
    %slice3A_50 = vector.extract_strided_slice %sub3A {offsets = [0, 512], sizes = [1024, 128], strides = [1, 1]} : vector<1024x2048xf32> to vector<1024x128xf32>
    %add3A_51 = arith.constant 512 : i32
    %add3A_52 = vector.broadcast %add3A_51 : i32 to vector<1024x128xi32>
    %add3A_53 = arith.addi %iota3A, %add3A_52 : vector<1024x128xi32>
    %lt3A_54 = arith.cmpf olt, %slice3A_50, %select_n3A_49 : vector<1024x128xf32>
    %select_n3A_55 = arith.select %lt3A_54, %add3A_53, %select_n3A_48 : vector<1024x128xi1>, vector<1024x128xi32>
    %select_n3A_56 = arith.select %lt3A_54, %slice3A_50, %select_n3A_49 : vector<1024x128xi1>, vector<1024x128xf32>
    %slice3A_57 = vector.extract_strided_slice %sub3A {offsets = [0, 640], sizes = [1024, 128], strides = [1, 1]} : vector<1024x2048xf32> to vector<1024x128xf32>
    %add3A_58 = arith.constant 640 : i32
    %add3A_59 = vector.broadcast %add3A_58 : i32 to vector<1024x128xi32>
    %add3A_60 = arith.addi %iota3A, %add3A_59 : vector<1024x128xi32>
    %lt3A_61 = arith.cmpf olt, %slice3A_57, %select_n3A_56 : vector<1024x128xf32>
    %select_n3A_62 = arith.select %lt3A_61, %add3A_60, %select_n3A_55 : vector<1024x128xi1>, vector<1024x128xi32>
    %select_n3A_63 = arith.select %lt3A_61, %slice3A_57, %select_n3A_56 : vector<1024x128xi1>, vector<1024x128xf32>
    %slice3A_64 = vector.extract_strided_slice %sub3A {offsets = [0, 768], sizes = [1024, 128], strides = [1, 1]} : vector<1024x2048xf32> to vector<1024x128xf32>
    %add3A_65 = arith.constant 768 : i32
    %add3A_66 = vector.broadcast %add3A_65 : i32 to vector<1024x128xi32>
    %add3A_67 = arith.addi %iota3A, %add3A_66 : vector<1024x128xi32>
    %lt3A_68 = arith.cmpf olt, %slice3A_64, %select_n3A_63 : vector<1024x128xf32>
    %select_n3A_69 = arith.select %lt3A_68, %add3A_67, %select_n3A_62 : vector<1024x128xi1>, vector<1024x128xi32>
    %select_n3A_70 = arith.select %lt3A_68, %slice3A_64, %select_n3A_63 : vector<1024x128xi1>, vector<1024x128xf32>
    %slice3A_71 = vector.extract_strided_slice %sub3A {offsets = [0, 896], sizes = [1024, 128], strides = [1, 1]} : vector<1024x2048xf32> to vector<1024x128xf32>
    %add3A_72 = arith.constant 896 : i32
    %add3A_73 = vector.broadcast %add3A_72 : i32 to vector<1024x128xi32>
    %add3A_74 = arith.addi %iota3A, %add3A_73 : vector<1024x128xi32>
    %lt3A_75 = arith.cmpf olt, %slice3A_71, %select_n3A_70 : vector<1024x128xf32>
    %select_n3A_76 = arith.select %lt3A_75, %add3A_74, %select_n3A_69 : vector<1024x128xi1>, vector<1024x128xi32>
    %select_n3A_77 = arith.select %lt3A_75, %slice3A_71, %select_n3A_70 : vector<1024x128xi1>, vector<1024x128xf32>
    %slice3A_78 = vector.extract_strided_slice %sub3A {offsets = [0, 1024], sizes = [1024, 128], strides = [1, 1]} : vector<1024x2048xf32> to vector<1024x128xf32>
    %add3A_79 = arith.constant 1024 : i32
    %add3A_80 = vector.broadcast %add3A_79 : i32 to vector<1024x128xi32>
    %add3A_81 = arith.addi %iota3A, %add3A_80 : vector<1024x128xi32>
    %lt3A_82 = arith.cmpf olt, %slice3A_78, %select_n3A_77 : vector<1024x128xf32>
    %select_n3A_83 = arith.select %lt3A_82, %add3A_81, %select_n3A_76 : vector<1024x128xi1>, vector<1024x128xi32>
    %select_n3A_84 = arith.select %lt3A_82, %slice3A_78, %select_n3A_77 : vector<1024x128xi1>, vector<1024x128xf32>
    %slice3A_85 = vector.extract_strided_slice %sub3A {offsets = [0, 1152], sizes = [1024, 128], strides = [1, 1]} : vector<1024x2048xf32> to vector<1024x128xf32>
    %add3A_86 = arith.constant 1152 : i32
    %add3A_87 = vector.broadcast %add3A_86 : i32 to vector<1024x128xi32>
    %add3A_88 = arith.addi %iota3A, %add3A_87 : vector<1024x128xi32>
    %lt3A_89 = arith.cmpf olt, %slice3A_85, %select_n3A_84 : vector<1024x128xf32>
    %select_n3A_90 = arith.select %lt3A_89, %add3A_88, %select_n3A_83 : vector<1024x128xi1>, vector<1024x128xi32>
    %select_n3A_91 = arith.select %lt3A_89, %slice3A_85, %select_n3A_84 : vector<1024x128xi1>, vector<1024x128xf32>
    %slice3A_92 = vector.extract_strided_slice %sub3A {offsets = [0, 1280], sizes = [1024, 128], strides = [1, 1]} : vector<1024x2048xf32> to vector<1024x128xf32>
    %add3A_93 = arith.constant 1280 : i32
    %add3A_94 = vector.broadcast %add3A_93 : i32 to vector<1024x128xi32>
    %add3A_95 = arith.addi %iota3A, %add3A_94 : vector<1024x128xi32>
    %lt3A_96 = arith.cmpf olt, %slice3A_92, %select_n3A_91 : vector<1024x128xf32>
    %select_n3A_97 = arith.select %lt3A_96, %add3A_95, %select_n3A_90 : vector<1024x128xi1>, vector<1024x128xi32>
    %select_n3A_98 = arith.select %lt3A_96, %slice3A_92, %select_n3A_91 : vector<1024x128xi1>, vector<1024x128xf32>
    %slice3A_99 = vector.extract_strided_slice %sub3A {offsets = [0, 1408], sizes = [1024, 128], strides = [1, 1]} : vector<1024x2048xf32> to vector<1024x128xf32>
    %add3A_100 = arith.constant 1408 : i32
    %add3A_101 = vector.broadcast %add3A_100 : i32 to vector<1024x128xi32>
    %add3A_102 = arith.addi %iota3A, %add3A_101 : vector<1024x128xi32>
    %lt3A_103 = arith.cmpf olt, %slice3A_99, %select_n3A_98 : vector<1024x128xf32>
    %select_n3A_104 = arith.select %lt3A_103, %add3A_102, %select_n3A_97 : vector<1024x128xi1>, vector<1024x128xi32>
    %select_n3A_105 = arith.select %lt3A_103, %slice3A_99, %select_n3A_98 : vector<1024x128xi1>, vector<1024x128xf32>
    %slice3A_106 = vector.extract_strided_slice %sub3A {offsets = [0, 1536], sizes = [1024, 128], strides = [1, 1]} : vector<1024x2048xf32> to vector<1024x128xf32>
    %add3A_107 = arith.constant 1536 : i32
    %add3A_108 = vector.broadcast %add3A_107 : i32 to vector<1024x128xi32>
    %add3A_109 = arith.addi %iota3A, %add3A_108 : vector<1024x128xi32>
    %lt3A_110 = arith.cmpf olt, %slice3A_106, %select_n3A_105 : vector<1024x128xf32>
    %select_n3A_111 = arith.select %lt3A_110, %add3A_109, %select_n3A_104 : vector<1024x128xi1>, vector<1024x128xi32>
    %select_n3A_112 = arith.select %lt3A_110, %slice3A_106, %select_n3A_105 : vector<1024x128xi1>, vector<1024x128xf32>
    %slice3A_113 = vector.extract_strided_slice %sub3A {offsets = [0, 1664], sizes = [1024, 128], strides = [1, 1]} : vector<1024x2048xf32> to vector<1024x128xf32>
    %add3A_114 = arith.constant 1664 : i32
    %add3A_115 = vector.broadcast %add3A_114 : i32 to vector<1024x128xi32>
    %add3A_116 = arith.addi %iota3A, %add3A_115 : vector<1024x128xi32>
    %lt3A_117 = arith.cmpf olt, %slice3A_113, %select_n3A_112 : vector<1024x128xf32>
    %select_n3A_118 = arith.select %lt3A_117, %add3A_116, %select_n3A_111 : vector<1024x128xi1>, vector<1024x128xi32>
    %select_n3A_119 = arith.select %lt3A_117, %slice3A_113, %select_n3A_112 : vector<1024x128xi1>, vector<1024x128xf32>
    %slice3A_120 = vector.extract_strided_slice %sub3A {offsets = [0, 1792], sizes = [1024, 128], strides = [1, 1]} : vector<1024x2048xf32> to vector<1024x128xf32>
    %add3A_121 = arith.constant 1792 : i32
    %add3A_122 = vector.broadcast %add3A_121 : i32 to vector<1024x128xi32>
    %add3A_123 = arith.addi %iota3A, %add3A_122 : vector<1024x128xi32>
    %lt3A_124 = arith.cmpf olt, %slice3A_120, %select_n3A_119 : vector<1024x128xf32>
    %select_n3A_125 = arith.select %lt3A_124, %add3A_123, %select_n3A_118 : vector<1024x128xi1>, vector<1024x128xi32>
    %select_n3A_126 = arith.select %lt3A_124, %slice3A_120, %select_n3A_119 : vector<1024x128xi1>, vector<1024x128xf32>
    %slice3A_127 = vector.extract_strided_slice %sub3A {offsets = [0, 1920], sizes = [1024, 128], strides = [1, 1]} : vector<1024x2048xf32> to vector<1024x128xf32>
    %add3A_128 = arith.constant 1920 : i32
    %add3A_129 = vector.broadcast %add3A_128 : i32 to vector<1024x128xi32>
    %add3A_130 = arith.addi %iota3A, %add3A_129 : vector<1024x128xi32>
    %lt3A_131 = arith.cmpf olt, %slice3A_127, %select_n3A_126 : vector<1024x128xf32>
    %select_n3A_132 = arith.select %lt3A_131, %add3A_130, %select_n3A_125 : vector<1024x128xi1>, vector<1024x128xi32>
    %select_n3A_133 = arith.select %lt3A_131, %slice3A_127, %select_n3A_126 : vector<1024x128xi1>, vector<1024x128xf32>
    %get3A_134 = arith.constant 2048 : index
    %get3A_135 = arith.constant 0 : index
    %get3A_136 = vector.load %arg4[%get3A_134, %get3A_135] : memref<8192x256xf32, #tpu.memory_space<vmem>>, vector<2048x256xf32>
    %get3A_137 = arith.constant 0 : index
    %get3A_138 = arith.constant 0 : index
    %get3A_139 = vector.load %arg3[%get3A_137, %get3A_138] : memref<1024x256xf32, #tpu.memory_space<vmem>>, vector<1024x256xf32>
    %dot_general3A_140 = arith.constant dense<0.000000e+00> : vector<1024x2048xf32>
    %dot_general3A_141 = tpu.matmul %get3A_139, %get3A_136, %dot_general3A_140 {dimension_numbers = #tpu.dot_dimension_numbers<[1], [1], [0], [0], [0, 0, 1, 0], [], []>, transpose_lhs_hint = false} : vector<1024x256xf32>, vector<2048x256xf32>, vector<1024x2048xf32> -> vector<1024x2048xf32>
    %get3A_142 = arith.constant 0 : index
    %get3A_143 = arith.constant 0 : index
    %get3A_144 = vector.load %arg1[%get3A_142, %get3A_143] : memref<1024x1xf32, #tpu.memory_space<vmem>>, vector<1024x1xf32>
    %get3A_145 = arith.constant 0 : index
    %get3A_146 = arith.constant 2048 : index
    %get3A_147 = vector.load %arg2[%get3A_145, %get3A_146] : memref<1x8192xf32, #tpu.memory_space<vmem>>, vector<1x2048xf32>
    %add3A_148 = vector.broadcast %get3A_144 : vector<1024x1xf32> to vector<1024x2048xf32>
    %add3A_149 = vector.broadcast %get3A_147 : vector<1x2048xf32> to vector<1024x2048xf32>
    %add3A_150 = arith.addf %add3A_148, %add3A_149 : vector<1024x2048xf32>
    %sub3A_151 = arith.subf %add3A_150, %dot_general3A_141 : vector<1024x2048xf32>
    %slice3A_152 = vector.extract_strided_slice %sub3A_151 {offsets = [0, 0], sizes = [1024, 128], strides = [1, 1]} : vector<1024x2048xf32> to vector<1024x128xf32>
    %add3A_153 = arith.constant 2048 : i32
    %add3A_154 = vector.broadcast %add3A_153 : i32 to vector<1024x128xi32>
    %add3A_155 = arith.addi %iota3A, %add3A_154 : vector<1024x128xi32>
    %lt3A_156 = arith.cmpf olt, %slice3A_152, %select_n3A_133 : vector<1024x128xf32>
    %select_n3A_157 = arith.select %lt3A_156, %add3A_155, %select_n3A_132 : vector<1024x128xi1>, vector<1024x128xi32>
    %select_n3A_158 = arith.select %lt3A_156, %slice3A_152, %select_n3A_133 : vector<1024x128xi1>, vector<1024x128xf32>
    %slice3A_159 = vector.extract_strided_slice %sub3A_151 {offsets = [0, 128], sizes = [1024, 128], strides = [1, 1]} : vector<1024x2048xf32> to vector<1024x128xf32>
    %add3A_160 = arith.constant 2176 : i32
    %add3A_161 = vector.broadcast %add3A_160 : i32 to vector<1024x128xi32>
    %add3A_162 = arith.addi %iota3A, %add3A_161 : vector<1024x128xi32>
    %lt3A_163 = arith.cmpf olt, %slice3A_159, %select_n3A_158 : vector<1024x128xf32>
    %select_n3A_164 = arith.select %lt3A_163, %add3A_162, %select_n3A_157 : vector<1024x128xi1>, vector<1024x128xi32>
    %select_n3A_165 = arith.select %lt3A_163, %slice3A_159, %select_n3A_158 : vector<1024x128xi1>, vector<1024x128xf32>
    %slice3A_166 = vector.extract_strided_slice %sub3A_151 {offsets = [0, 256], sizes = [1024, 128], strides = [1, 1]} : vector<1024x2048xf32> to vector<1024x128xf32>
    %add3A_167 = arith.constant 2304 : i32
    %add3A_168 = vector.broadcast %add3A_167 : i32 to vector<1024x128xi32>
    %add3A_169 = arith.addi %iota3A, %add3A_168 : vector<1024x128xi32>
    %lt3A_170 = arith.cmpf olt, %slice3A_166, %select_n3A_165 : vector<1024x128xf32>
    %select_n3A_171 = arith.select %lt3A_170, %add3A_169, %select_n3A_164 : vector<1024x128xi1>, vector<1024x128xi32>
    %select_n3A_172 = arith.select %lt3A_170, %slice3A_166, %select_n3A_165 : vector<1024x128xi1>, vector<1024x128xf32>
    %slice3A_173 = vector.extract_strided_slice %sub3A_151 {offsets = [0, 384], sizes = [1024, 128], strides = [1, 1]} : vector<1024x2048xf32> to vector<1024x128xf32>
    %add3A_174 = arith.constant 2432 : i32
    %add3A_175 = vector.broadcast %add3A_174 : i32 to vector<1024x128xi32>
    %add3A_176 = arith.addi %iota3A, %add3A_175 : vector<1024x128xi32>
    %lt3A_177 = arith.cmpf olt, %slice3A_173, %select_n3A_172 : vector<1024x128xf32>
    %select_n3A_178 = arith.select %lt3A_177, %add3A_176, %select_n3A_171 : vector<1024x128xi1>, vector<1024x128xi32>
    %select_n3A_179 = arith.select %lt3A_177, %slice3A_173, %select_n3A_172 : vector<1024x128xi1>, vector<1024x128xf32>
    %slice3A_180 = vector.extract_strided_slice %sub3A_151 {offsets = [0, 512], sizes = [1024, 128], strides = [1, 1]} : vector<1024x2048xf32> to vector<1024x128xf32>
    %add3A_181 = arith.constant 2560 : i32
    %add3A_182 = vector.broadcast %add3A_181 : i32 to vector<1024x128xi32>
    %add3A_183 = arith.addi %iota3A, %add3A_182 : vector<1024x128xi32>
    %lt3A_184 = arith.cmpf olt, %slice3A_180, %select_n3A_179 : vector<1024x128xf32>
    %select_n3A_185 = arith.select %lt3A_184, %add3A_183, %select_n3A_178 : vector<1024x128xi1>, vector<1024x128xi32>
    %select_n3A_186 = arith.select %lt3A_184, %slice3A_180, %select_n3A_179 : vector<1024x128xi1>, vector<1024x128xf32>
    %slice3A_187 = vector.extract_strided_slice %sub3A_151 {offsets = [0, 640], sizes = [1024, 128], strides = [1, 1]} : vector<1024x2048xf32> to vector<1024x128xf32>
    %add3A_188 = arith.constant 2688 : i32
    %add3A_189 = vector.broadcast %add3A_188 : i32 to vector<1024x128xi32>
    %add3A_190 = arith.addi %iota3A, %add3A_189 : vector<1024x128xi32>
    %lt3A_191 = arith.cmpf olt, %slice3A_187, %select_n3A_186 : vector<1024x128xf32>
    %ge3A = arith.constant 0 : i32
    %ge3A_192 = vector.broadcast %ge3A : i32 to vector<1024x128xi32>
    %ge3A_193 = arith.cmpi sge, %add3A_190, %ge3A_192 : vector<1024x128xi32>
    %lt3A_194 = arith.constant 2736 : i32
    %lt3A_195 = vector.broadcast %lt3A_194 : i32 to vector<1024x128xi32>
    %lt3A_196 = arith.cmpi slt, %add3A_190, %lt3A_195 : vector<1024x128xi32>
    %and3A = arith.andi %ge3A_193, %lt3A_196 : vector<1024x128xi1>
    %and3A_197 = arith.andi %lt3A_191, %and3A : vector<1024x128xi1>
    %select_n3A_198 = arith.select %and3A_197, %add3A_190, %select_n3A_185 : vector<1024x128xi1>, vector<1024x128xi32>
    %select_n3A_199 = arith.select %and3A_197, %slice3A_187, %select_n3A_186 : vector<1024x128xi1>, vector<1024x128xf32>
    %lt3A_200 = arith.cmpf olt, %slice3A_187, %broadcast_in_dim3A_2 : vector<1024x128xf32>
    %ge3A_201 = arith.constant 2736 : i32
    %ge3A_202 = vector.broadcast %ge3A_201 : i32 to vector<1024x128xi32>
    %ge3A_203 = arith.cmpi sge, %add3A_190, %ge3A_202 : vector<1024x128xi32>
    %lt3A_204 = arith.constant 5472 : i32
    %lt3A_205 = vector.broadcast %lt3A_204 : i32 to vector<1024x128xi32>
    %lt3A_206 = arith.cmpi slt, %add3A_190, %lt3A_205 : vector<1024x128xi32>
    %and3A_207 = arith.andi %ge3A_203, %lt3A_206 : vector<1024x128xi1>
    %and3A_208 = arith.andi %lt3A_200, %and3A_207 : vector<1024x128xi1>
    %select_n3A_209 = arith.select %and3A_208, %add3A_190, %broadcast_in_dim3A_8 : vector<1024x128xi1>, vector<1024x128xi32>
    %select_n3A_210 = arith.select %and3A_208, %slice3A_187, %broadcast_in_dim3A_2 : vector<1024x128xi1>, vector<1024x128xf32>
    %slice3A_211 = vector.extract_strided_slice %sub3A_151 {offsets = [0, 768], sizes = [1024, 128], strides = [1, 1]} : vector<1024x2048xf32> to vector<1024x128xf32>
    %add3A_212 = arith.constant 2816 : i32
    %add3A_213 = vector.broadcast %add3A_212 : i32 to vector<1024x128xi32>
    %add3A_214 = arith.addi %iota3A, %add3A_213 : vector<1024x128xi32>
    %lt3A_215 = arith.cmpf olt, %slice3A_211, %select_n3A_210 : vector<1024x128xf32>
    %select_n3A_216 = arith.select %lt3A_215, %add3A_214, %select_n3A_209 : vector<1024x128xi1>, vector<1024x128xi32>
    %select_n3A_217 = arith.select %lt3A_215, %slice3A_211, %select_n3A_210 : vector<1024x128xi1>, vector<1024x128xf32>
    %slice3A_218 = vector.extract_strided_slice %sub3A_151 {offsets = [0, 896], sizes = [1024, 128], strides = [1, 1]} : vector<1024x2048xf32> to vector<1024x128xf32>
    %add3A_219 = arith.constant 2944 : i32
    %add3A_220 = vector.broadcast %add3A_219 : i32 to vector<1024x128xi32>
    %add3A_221 = arith.addi %iota3A, %add3A_220 : vector<1024x128xi32>
    %lt3A_222 = arith.cmpf olt, %slice3A_218, %select_n3A_217 : vector<1024x128xf32>
    %select_n3A_223 = arith.select %lt3A_222, %add3A_221, %select_n3A_216 : vector<1024x128xi1>, vector<1024x128xi32>
    %select_n3A_224 = arith.select %lt3A_222, %slice3A_218, %select_n3A_217 : vector<1024x128xi1>, vector<1024x128xf32>
    %slice3A_225 = vector.extract_strided_slice %sub3A_151 {offsets = [0, 1024], sizes = [1024, 128], strides = [1, 1]} : vector<1024x2048xf32> to vector<1024x128xf32>
    %add3A_226 = arith.constant 3072 : i32
    %add3A_227 = vector.broadcast %add3A_226 : i32 to vector<1024x128xi32>
    %add3A_228 = arith.addi %iota3A, %add3A_227 : vector<1024x128xi32>
    %lt3A_229 = arith.cmpf olt, %slice3A_225, %select_n3A_224 : vector<1024x128xf32>
    %select_n3A_230 = arith.select %lt3A_229, %add3A_228, %select_n3A_223 : vector<1024x128xi1>, vector<1024x128xi32>
    %select_n3A_231 = arith.select %lt3A_229, %slice3A_225, %select_n3A_224 : vector<1024x128xi1>, vector<1024x128xf32>
    %slice3A_232 = vector.extract_strided_slice %sub3A_151 {offsets = [0, 1152], sizes = [1024, 128], strides = [1, 1]} : vector<1024x2048xf32> to vector<1024x128xf32>
    %add3A_233 = arith.constant 3200 : i32
    %add3A_234 = vector.broadcast %add3A_233 : i32 to vector<1024x128xi32>
    %add3A_235 = arith.addi %iota3A, %add3A_234 : vector<1024x128xi32>
    %lt3A_236 = arith.cmpf olt, %slice3A_232, %select_n3A_231 : vector<1024x128xf32>
    %select_n3A_237 = arith.select %lt3A_236, %add3A_235, %select_n3A_230 : vector<1024x128xi1>, vector<1024x128xi32>
    %select_n3A_238 = arith.select %lt3A_236, %slice3A_232, %select_n3A_231 : vector<1024x128xi1>, vector<1024x128xf32>
    %slice3A_239 = vector.extract_strided_slice %sub3A_151 {offsets = [0, 1280], sizes = [1024, 128], strides = [1, 1]} : vector<1024x2048xf32> to vector<1024x128xf32>
    %add3A_240 = arith.constant 3328 : i32
    %add3A_241 = vector.broadcast %add3A_240 : i32 to vector<1024x128xi32>
    %add3A_242 = arith.addi %iota3A, %add3A_241 : vector<1024x128xi32>
    %lt3A_243 = arith.cmpf olt, %slice3A_239, %select_n3A_238 : vector<1024x128xf32>
    %select_n3A_244 = arith.select %lt3A_243, %add3A_242, %select_n3A_237 : vector<1024x128xi1>, vector<1024x128xi32>
    %select_n3A_245 = arith.select %lt3A_243, %slice3A_239, %select_n3A_238 : vector<1024x128xi1>, vector<1024x128xf32>
    %slice3A_246 = vector.extract_strided_slice %sub3A_151 {offsets = [0, 1408], sizes = [1024, 128], strides = [1, 1]} : vector<1024x2048xf32> to vector<1024x128xf32>
    %add3A_247 = arith.constant 3456 : i32
    %add3A_248 = vector.broadcast %add3A_247 : i32 to vector<1024x128xi32>
    %add3A_249 = arith.addi %iota3A, %add3A_248 : vector<1024x128xi32>
    %lt3A_250 = arith.cmpf olt, %slice3A_246, %select_n3A_245 : vector<1024x128xf32>
    %select_n3A_251 = arith.select %lt3A_250, %add3A_249, %select_n3A_244 : vector<1024x128xi1>, vector<1024x128xi32>
    %select_n3A_252 = arith.select %lt3A_250, %slice3A_246, %select_n3A_245 : vector<1024x128xi1>, vector<1024x128xf32>
    %slice3A_253 = vector.extract_strided_slice %sub3A_151 {offsets = [0, 1536], sizes = [1024, 128], strides = [1, 1]} : vector<1024x2048xf32> to vector<1024x128xf32>
    %add3A_254 = arith.constant 3584 : i32
    %add3A_255 = vector.broadcast %add3A_254 : i32 to vector<1024x128xi32>
    %add3A_256 = arith.addi %iota3A, %add3A_255 : vector<1024x128xi32>
    %lt3A_257 = arith.cmpf olt, %slice3A_253, %select_n3A_252 : vector<1024x128xf32>
    %select_n3A_258 = arith.select %lt3A_257, %add3A_256, %select_n3A_251 : vector<1024x128xi1>, vector<1024x128xi32>
    %select_n3A_259 = arith.select %lt3A_257, %slice3A_253, %select_n3A_252 : vector<1024x128xi1>, vector<1024x128xf32>
    %slice3A_260 = vector.extract_strided_slice %sub3A_151 {offsets = [0, 1664], sizes = [1024, 128], strides = [1, 1]} : vector<1024x2048xf32> to vector<1024x128xf32>
    %add3A_261 = arith.constant 3712 : i32
    %add3A_262 = vector.broadcast %add3A_261 : i32 to vector<1024x128xi32>
    %add3A_263 = arith.addi %iota3A, %add3A_262 : vector<1024x128xi32>
    %lt3A_264 = arith.cmpf olt, %slice3A_260, %select_n3A_259 : vector<1024x128xf32>
    %select_n3A_265 = arith.select %lt3A_264, %add3A_263, %select_n3A_258 : vector<1024x128xi1>, vector<1024x128xi32>
    %select_n3A_266 = arith.select %lt3A_264, %slice3A_260, %select_n3A_259 : vector<1024x128xi1>, vector<1024x128xf32>
    %slice3A_267 = vector.extract_strided_slice %sub3A_151 {offsets = [0, 1792], sizes = [1024, 128], strides = [1, 1]} : vector<1024x2048xf32> to vector<1024x128xf32>
    %add3A_268 = arith.constant 3840 : i32
    %add3A_269 = vector.broadcast %add3A_268 : i32 to vector<1024x128xi32>
    %add3A_270 = arith.addi %iota3A, %add3A_269 : vector<1024x128xi32>
    %lt3A_271 = arith.cmpf olt, %slice3A_267, %select_n3A_266 : vector<1024x128xf32>
    %select_n3A_272 = arith.select %lt3A_271, %add3A_270, %select_n3A_265 : vector<1024x128xi1>, vector<1024x128xi32>
    %select_n3A_273 = arith.select %lt3A_271, %slice3A_267, %select_n3A_266 : vector<1024x128xi1>, vector<1024x128xf32>
    %slice3A_274 = vector.extract_strided_slice %sub3A_151 {offsets = [0, 1920], sizes = [1024, 128], strides = [1, 1]} : vector<1024x2048xf32> to vector<1024x128xf32>
    %add3A_275 = arith.constant 3968 : i32
    %add3A_276 = vector.broadcast %add3A_275 : i32 to vector<1024x128xi32>
    %add3A_277 = arith.addi %iota3A, %add3A_276 : vector<1024x128xi32>
    %lt3A_278 = arith.cmpf olt, %slice3A_274, %select_n3A_273 : vector<1024x128xf32>
    %select_n3A_279 = arith.select %lt3A_278, %add3A_277, %select_n3A_272 : vector<1024x128xi1>, vector<1024x128xi32>
    %select_n3A_280 = arith.select %lt3A_278, %slice3A_274, %select_n3A_273 : vector<1024x128xi1>, vector<1024x128xf32>
    %get3A_281 = arith.constant 4096 : index
    %get3A_282 = arith.constant 0 : index
    %get3A_283 = vector.load %arg4[%get3A_281, %get3A_282] : memref<8192x256xf32, #tpu.memory_space<vmem>>, vector<2048x256xf32>
    %get3A_284 = arith.constant 0 : index
    %get3A_285 = arith.constant 0 : index
    %get3A_286 = vector.load %arg3[%get3A_284, %get3A_285] : memref<1024x256xf32, #tpu.memory_space<vmem>>, vector<1024x256xf32>
    %dot_general3A_287 = arith.constant dense<0.000000e+00> : vector<1024x2048xf32>
    %dot_general3A_288 = tpu.matmul %get3A_286, %get3A_283, %dot_general3A_287 {dimension_numbers = #tpu.dot_dimension_numbers<[1], [1], [0], [0], [0, 0, 1, 0], [], []>, transpose_lhs_hint = false} : vector<1024x256xf32>, vector<2048x256xf32>, vector<1024x2048xf32> -> vector<1024x2048xf32>
    %get3A_289 = arith.constant 0 : index
    %get3A_290 = arith.constant 0 : index
    %get3A_291 = vector.load %arg1[%get3A_289, %get3A_290] : memref<1024x1xf32, #tpu.memory_space<vmem>>, vector<1024x1xf32>
    %get3A_292 = arith.constant 0 : index
    %get3A_293 = arith.constant 4096 : index
    %get3A_294 = vector.load %arg2[%get3A_292, %get3A_293] : memref<1x8192xf32, #tpu.memory_space<vmem>>, vector<1x2048xf32>
    %add3A_295 = vector.broadcast %get3A_291 : vector<1024x1xf32> to vector<1024x2048xf32>
    %add3A_296 = vector.broadcast %get3A_294 : vector<1x2048xf32> to vector<1024x2048xf32>
    %add3A_297 = arith.addf %add3A_295, %add3A_296 : vector<1024x2048xf32>
    %sub3A_298 = arith.subf %add3A_297, %dot_general3A_288 : vector<1024x2048xf32>
    %slice3A_299 = vector.extract_strided_slice %sub3A_298 {offsets = [0, 0], sizes = [1024, 128], strides = [1, 1]} : vector<1024x2048xf32> to vector<1024x128xf32>
    %add3A_300 = arith.constant 4096 : i32
    %add3A_301 = vector.broadcast %add3A_300 : i32 to vector<1024x128xi32>
    %add3A_302 = arith.addi %iota3A, %add3A_301 : vector<1024x128xi32>
    %lt3A_303 = arith.cmpf olt, %slice3A_299, %select_n3A_280 : vector<1024x128xf32>
    %select_n3A_304 = arith.select %lt3A_303, %add3A_302, %select_n3A_279 : vector<1024x128xi1>, vector<1024x128xi32>
    %select_n3A_305 = arith.select %lt3A_303, %slice3A_299, %select_n3A_280 : vector<1024x128xi1>, vector<1024x128xf32>
    %slice3A_306 = vector.extract_strided_slice %sub3A_298 {offsets = [0, 128], sizes = [1024, 128], strides = [1, 1]} : vector<1024x2048xf32> to vector<1024x128xf32>
    %add3A_307 = arith.constant 4224 : i32
    %add3A_308 = vector.broadcast %add3A_307 : i32 to vector<1024x128xi32>
    %add3A_309 = arith.addi %iota3A, %add3A_308 : vector<1024x128xi32>
    %lt3A_310 = arith.cmpf olt, %slice3A_306, %select_n3A_305 : vector<1024x128xf32>
    %select_n3A_311 = arith.select %lt3A_310, %add3A_309, %select_n3A_304 : vector<1024x128xi1>, vector<1024x128xi32>
    %select_n3A_312 = arith.select %lt3A_310, %slice3A_306, %select_n3A_305 : vector<1024x128xi1>, vector<1024x128xf32>
    %slice3A_313 = vector.extract_strided_slice %sub3A_298 {offsets = [0, 256], sizes = [1024, 128], strides = [1, 1]} : vector<1024x2048xf32> to vector<1024x128xf32>
    %add3A_314 = arith.constant 4352 : i32
    %add3A_315 = vector.broadcast %add3A_314 : i32 to vector<1024x128xi32>
    %add3A_316 = arith.addi %iota3A, %add3A_315 : vector<1024x128xi32>
    %lt3A_317 = arith.cmpf olt, %slice3A_313, %select_n3A_312 : vector<1024x128xf32>
    %select_n3A_318 = arith.select %lt3A_317, %add3A_316, %select_n3A_311 : vector<1024x128xi1>, vector<1024x128xi32>
    %select_n3A_319 = arith.select %lt3A_317, %slice3A_313, %select_n3A_312 : vector<1024x128xi1>, vector<1024x128xf32>
    %slice3A_320 = vector.extract_strided_slice %sub3A_298 {offsets = [0, 384], sizes = [1024, 128], strides = [1, 1]} : vector<1024x2048xf32> to vector<1024x128xf32>
    %add3A_321 = arith.constant 4480 : i32
    %add3A_322 = vector.broadcast %add3A_321 : i32 to vector<1024x128xi32>
    %add3A_323 = arith.addi %iota3A, %add3A_322 : vector<1024x128xi32>
    %lt3A_324 = arith.cmpf olt, %slice3A_320, %select_n3A_319 : vector<1024x128xf32>
    %select_n3A_325 = arith.select %lt3A_324, %add3A_323, %select_n3A_318 : vector<1024x128xi1>, vector<1024x128xi32>
    %select_n3A_326 = arith.select %lt3A_324, %slice3A_320, %select_n3A_319 : vector<1024x128xi1>, vector<1024x128xf32>
    %slice3A_327 = vector.extract_strided_slice %sub3A_298 {offsets = [0, 512], sizes = [1024, 128], strides = [1, 1]} : vector<1024x2048xf32> to vector<1024x128xf32>
    %add3A_328 = arith.constant 4608 : i32
    %add3A_329 = vector.broadcast %add3A_328 : i32 to vector<1024x128xi32>
    %add3A_330 = arith.addi %iota3A, %add3A_329 : vector<1024x128xi32>
    %lt3A_331 = arith.cmpf olt, %slice3A_327, %select_n3A_326 : vector<1024x128xf32>
    %select_n3A_332 = arith.select %lt3A_331, %add3A_330, %select_n3A_325 : vector<1024x128xi1>, vector<1024x128xi32>
    %select_n3A_333 = arith.select %lt3A_331, %slice3A_327, %select_n3A_326 : vector<1024x128xi1>, vector<1024x128xf32>
    %slice3A_334 = vector.extract_strided_slice %sub3A_298 {offsets = [0, 640], sizes = [1024, 128], strides = [1, 1]} : vector<1024x2048xf32> to vector<1024x128xf32>
    %add3A_335 = arith.constant 4736 : i32
    %add3A_336 = vector.broadcast %add3A_335 : i32 to vector<1024x128xi32>
    %add3A_337 = arith.addi %iota3A, %add3A_336 : vector<1024x128xi32>
    %lt3A_338 = arith.cmpf olt, %slice3A_334, %select_n3A_333 : vector<1024x128xf32>
    %select_n3A_339 = arith.select %lt3A_338, %add3A_337, %select_n3A_332 : vector<1024x128xi1>, vector<1024x128xi32>
    %select_n3A_340 = arith.select %lt3A_338, %slice3A_334, %select_n3A_333 : vector<1024x128xi1>, vector<1024x128xf32>
    %slice3A_341 = vector.extract_strided_slice %sub3A_298 {offsets = [0, 768], sizes = [1024, 128], strides = [1, 1]} : vector<1024x2048xf32> to vector<1024x128xf32>
    %add3A_342 = arith.constant 4864 : i32
    %add3A_343 = vector.broadcast %add3A_342 : i32 to vector<1024x128xi32>
    %add3A_344 = arith.addi %iota3A, %add3A_343 : vector<1024x128xi32>
    %lt3A_345 = arith.cmpf olt, %slice3A_341, %select_n3A_340 : vector<1024x128xf32>
    %select_n3A_346 = arith.select %lt3A_345, %add3A_344, %select_n3A_339 : vector<1024x128xi1>, vector<1024x128xi32>
    %select_n3A_347 = arith.select %lt3A_345, %slice3A_341, %select_n3A_340 : vector<1024x128xi1>, vector<1024x128xf32>
    %slice3A_348 = vector.extract_strided_slice %sub3A_298 {offsets = [0, 896], sizes = [1024, 128], strides = [1, 1]} : vector<1024x2048xf32> to vector<1024x128xf32>
    %add3A_349 = arith.constant 4992 : i32
    %add3A_350 = vector.broadcast %add3A_349 : i32 to vector<1024x128xi32>
    %add3A_351 = arith.addi %iota3A, %add3A_350 : vector<1024x128xi32>
    %lt3A_352 = arith.cmpf olt, %slice3A_348, %select_n3A_347 : vector<1024x128xf32>
    %select_n3A_353 = arith.select %lt3A_352, %add3A_351, %select_n3A_346 : vector<1024x128xi1>, vector<1024x128xi32>
    %select_n3A_354 = arith.select %lt3A_352, %slice3A_348, %select_n3A_347 : vector<1024x128xi1>, vector<1024x128xf32>
    %slice3A_355 = vector.extract_strided_slice %sub3A_298 {offsets = [0, 1024], sizes = [1024, 128], strides = [1, 1]} : vector<1024x2048xf32> to vector<1024x128xf32>
    %add3A_356 = arith.constant 5120 : i32
    %add3A_357 = vector.broadcast %add3A_356 : i32 to vector<1024x128xi32>
    %add3A_358 = arith.addi %iota3A, %add3A_357 : vector<1024x128xi32>
    %lt3A_359 = arith.cmpf olt, %slice3A_355, %select_n3A_354 : vector<1024x128xf32>
    %select_n3A_360 = arith.select %lt3A_359, %add3A_358, %select_n3A_353 : vector<1024x128xi1>, vector<1024x128xi32>
    %select_n3A_361 = arith.select %lt3A_359, %slice3A_355, %select_n3A_354 : vector<1024x128xi1>, vector<1024x128xf32>
    %slice3A_362 = vector.extract_strided_slice %sub3A_298 {offsets = [0, 1152], sizes = [1024, 128], strides = [1, 1]} : vector<1024x2048xf32> to vector<1024x128xf32>
    %add3A_363 = arith.constant 5248 : i32
    %add3A_364 = vector.broadcast %add3A_363 : i32 to vector<1024x128xi32>
    %add3A_365 = arith.addi %iota3A, %add3A_364 : vector<1024x128xi32>
    %lt3A_366 = arith.cmpf olt, %slice3A_362, %select_n3A_361 : vector<1024x128xf32>
    %select_n3A_367 = arith.select %lt3A_366, %add3A_365, %select_n3A_360 : vector<1024x128xi1>, vector<1024x128xi32>
    %select_n3A_368 = arith.select %lt3A_366, %slice3A_362, %select_n3A_361 : vector<1024x128xi1>, vector<1024x128xf32>
    %slice3A_369 = vector.extract_strided_slice %sub3A_298 {offsets = [0, 1280], sizes = [1024, 128], strides = [1, 1]} : vector<1024x2048xf32> to vector<1024x128xf32>
    %add3A_370 = arith.constant 5376 : i32
    %add3A_371 = vector.broadcast %add3A_370 : i32 to vector<1024x128xi32>
    %add3A_372 = arith.addi %iota3A, %add3A_371 : vector<1024x128xi32>
    %lt3A_373 = arith.cmpf olt, %slice3A_369, %select_n3A_368 : vector<1024x128xf32>
    %ge3A_374 = arith.constant 2736 : i32
    %ge3A_375 = vector.broadcast %ge3A_374 : i32 to vector<1024x128xi32>
    %ge3A_376 = arith.cmpi sge, %add3A_372, %ge3A_375 : vector<1024x128xi32>
    %lt3A_377 = arith.constant 5472 : i32
    %lt3A_378 = vector.broadcast %lt3A_377 : i32 to vector<1024x128xi32>
    %lt3A_379 = arith.cmpi slt, %add3A_372, %lt3A_378 : vector<1024x128xi32>
    %and3A_380 = arith.andi %ge3A_376, %lt3A_379 : vector<1024x128xi1>
    %and3A_381 = arith.andi %lt3A_373, %and3A_380 : vector<1024x128xi1>
    %select_n3A_382 = arith.select %and3A_381, %add3A_372, %select_n3A_367 : vector<1024x128xi1>, vector<1024x128xi32>
    %select_n3A_383 = arith.select %and3A_381, %slice3A_369, %select_n3A_368 : vector<1024x128xi1>, vector<1024x128xf32>
    %lt3A_384 = arith.cmpf olt, %slice3A_369, %broadcast_in_dim3A_4 : vector<1024x128xf32>
    %ge3A_385 = arith.constant 5472 : i32
    %ge3A_386 = vector.broadcast %ge3A_385 : i32 to vector<1024x128xi32>
    %ge3A_387 = arith.cmpi sge, %add3A_372, %ge3A_386 : vector<1024x128xi32>
    %lt3A_388 = arith.constant 8208 : i32
    %lt3A_389 = vector.broadcast %lt3A_388 : i32 to vector<1024x128xi32>
    %lt3A_390 = arith.cmpi slt, %add3A_372, %lt3A_389 : vector<1024x128xi32>
    %and3A_391 = arith.andi %ge3A_387, %lt3A_390 : vector<1024x128xi1>
    %and3A_392 = arith.andi %lt3A_384, %and3A_391 : vector<1024x128xi1>
    %select_n3A_393 = arith.select %and3A_392, %add3A_372, %broadcast_in_dim3A_10 : vector<1024x128xi1>, vector<1024x128xi32>
    %select_n3A_394 = arith.select %and3A_392, %slice3A_369, %broadcast_in_dim3A_4 : vector<1024x128xi1>, vector<1024x128xf32>
    %slice3A_395 = vector.extract_strided_slice %sub3A_298 {offsets = [0, 1408], sizes = [1024, 128], strides = [1, 1]} : vector<1024x2048xf32> to vector<1024x128xf32>
    %add3A_396 = arith.constant 5504 : i32
    %add3A_397 = vector.broadcast %add3A_396 : i32 to vector<1024x128xi32>
    %add3A_398 = arith.addi %iota3A, %add3A_397 : vector<1024x128xi32>
    %lt3A_399 = arith.cmpf olt, %slice3A_395, %select_n3A_394 : vector<1024x128xf32>
    %select_n3A_400 = arith.select %lt3A_399, %add3A_398, %select_n3A_393 : vector<1024x128xi1>, vector<1024x128xi32>
    %select_n3A_401 = arith.select %lt3A_399, %slice3A_395, %select_n3A_394 : vector<1024x128xi1>, vector<1024x128xf32>
    %slice3A_402 = vector.extract_strided_slice %sub3A_298 {offsets = [0, 1536], sizes = [1024, 128], strides = [1, 1]} : vector<1024x2048xf32> to vector<1024x128xf32>
    %add3A_403 = arith.constant 5632 : i32
    %add3A_404 = vector.broadcast %add3A_403 : i32 to vector<1024x128xi32>
    %add3A_405 = arith.addi %iota3A, %add3A_404 : vector<1024x128xi32>
    %lt3A_406 = arith.cmpf olt, %slice3A_402, %select_n3A_401 : vector<1024x128xf32>
    %select_n3A_407 = arith.select %lt3A_406, %add3A_405, %select_n3A_400 : vector<1024x128xi1>, vector<1024x128xi32>
    %select_n3A_408 = arith.select %lt3A_406, %slice3A_402, %select_n3A_401 : vector<1024x128xi1>, vector<1024x128xf32>
    %slice3A_409 = vector.extract_strided_slice %sub3A_298 {offsets = [0, 1664], sizes = [1024, 128], strides = [1, 1]} : vector<1024x2048xf32> to vector<1024x128xf32>
    %add3A_410 = arith.constant 5760 : i32
    %add3A_411 = vector.broadcast %add3A_410 : i32 to vector<1024x128xi32>
    %add3A_412 = arith.addi %iota3A, %add3A_411 : vector<1024x128xi32>
    %lt3A_413 = arith.cmpf olt, %slice3A_409, %select_n3A_408 : vector<1024x128xf32>
    %select_n3A_414 = arith.select %lt3A_413, %add3A_412, %select_n3A_407 : vector<1024x128xi1>, vector<1024x128xi32>
    %select_n3A_415 = arith.select %lt3A_413, %slice3A_409, %select_n3A_408 : vector<1024x128xi1>, vector<1024x128xf32>
    %slice3A_416 = vector.extract_strided_slice %sub3A_298 {offsets = [0, 1792], sizes = [1024, 128], strides = [1, 1]} : vector<1024x2048xf32> to vector<1024x128xf32>
    %add3A_417 = arith.constant 5888 : i32
    %add3A_418 = vector.broadcast %add3A_417 : i32 to vector<1024x128xi32>
    %add3A_419 = arith.addi %iota3A, %add3A_418 : vector<1024x128xi32>
    %lt3A_420 = arith.cmpf olt, %slice3A_416, %select_n3A_415 : vector<1024x128xf32>
    %select_n3A_421 = arith.select %lt3A_420, %add3A_419, %select_n3A_414 : vector<1024x128xi1>, vector<1024x128xi32>
    %select_n3A_422 = arith.select %lt3A_420, %slice3A_416, %select_n3A_415 : vector<1024x128xi1>, vector<1024x128xf32>
    %slice3A_423 = vector.extract_strided_slice %sub3A_298 {offsets = [0, 1920], sizes = [1024, 128], strides = [1, 1]} : vector<1024x2048xf32> to vector<1024x128xf32>
    %add3A_424 = arith.constant 6016 : i32
    %add3A_425 = vector.broadcast %add3A_424 : i32 to vector<1024x128xi32>
    %add3A_426 = arith.addi %iota3A, %add3A_425 : vector<1024x128xi32>
    %lt3A_427 = arith.cmpf olt, %slice3A_423, %select_n3A_422 : vector<1024x128xf32>
    %select_n3A_428 = arith.select %lt3A_427, %add3A_426, %select_n3A_421 : vector<1024x128xi1>, vector<1024x128xi32>
    %select_n3A_429 = arith.select %lt3A_427, %slice3A_423, %select_n3A_422 : vector<1024x128xi1>, vector<1024x128xf32>
    %get3A_430 = arith.constant 6144 : index
    %get3A_431 = arith.constant 0 : index
    %get3A_432 = vector.load %arg4[%get3A_430, %get3A_431] : memref<8192x256xf32, #tpu.memory_space<vmem>>, vector<2048x256xf32>
    %get3A_433 = arith.constant 0 : index
    %get3A_434 = arith.constant 0 : index
    %get3A_435 = vector.load %arg3[%get3A_433, %get3A_434] : memref<1024x256xf32, #tpu.memory_space<vmem>>, vector<1024x256xf32>
    %dot_general3A_436 = arith.constant dense<0.000000e+00> : vector<1024x2048xf32>
    %dot_general3A_437 = tpu.matmul %get3A_435, %get3A_432, %dot_general3A_436 {dimension_numbers = #tpu.dot_dimension_numbers<[1], [1], [0], [0], [0, 0, 1, 0], [], []>, transpose_lhs_hint = false} : vector<1024x256xf32>, vector<2048x256xf32>, vector<1024x2048xf32> -> vector<1024x2048xf32>
    %get3A_438 = arith.constant 0 : index
    %get3A_439 = arith.constant 0 : index
    %get3A_440 = vector.load %arg1[%get3A_438, %get3A_439] : memref<1024x1xf32, #tpu.memory_space<vmem>>, vector<1024x1xf32>
    %get3A_441 = arith.constant 0 : index
    %get3A_442 = arith.constant 6144 : index
    %get3A_443 = vector.load %arg2[%get3A_441, %get3A_442] : memref<1x8192xf32, #tpu.memory_space<vmem>>, vector<1x2048xf32>
    %add3A_444 = vector.broadcast %get3A_440 : vector<1024x1xf32> to vector<1024x2048xf32>
    %add3A_445 = vector.broadcast %get3A_443 : vector<1x2048xf32> to vector<1024x2048xf32>
    %add3A_446 = arith.addf %add3A_444, %add3A_445 : vector<1024x2048xf32>
    %sub3A_447 = arith.subf %add3A_446, %dot_general3A_437 : vector<1024x2048xf32>
    %slice3A_448 = vector.extract_strided_slice %sub3A_447 {offsets = [0, 0], sizes = [1024, 128], strides = [1, 1]} : vector<1024x2048xf32> to vector<1024x128xf32>
    %add3A_449 = arith.constant 6144 : i32
    %add3A_450 = vector.broadcast %add3A_449 : i32 to vector<1024x128xi32>
    %add3A_451 = arith.addi %iota3A, %add3A_450 : vector<1024x128xi32>
    %lt3A_452 = arith.cmpf olt, %slice3A_448, %select_n3A_429 : vector<1024x128xf32>
    %select_n3A_453 = arith.select %lt3A_452, %add3A_451, %select_n3A_428 : vector<1024x128xi1>, vector<1024x128xi32>
    %select_n3A_454 = arith.select %lt3A_452, %slice3A_448, %select_n3A_429 : vector<1024x128xi1>, vector<1024x128xf32>
    %slice3A_455 = vector.extract_strided_slice %sub3A_447 {offsets = [0, 128], sizes = [1024, 128], strides = [1, 1]} : vector<1024x2048xf32> to vector<1024x128xf32>
    %add3A_456 = arith.constant 6272 : i32
    %add3A_457 = vector.broadcast %add3A_456 : i32 to vector<1024x128xi32>
    %add3A_458 = arith.addi %iota3A, %add3A_457 : vector<1024x128xi32>
    %lt3A_459 = arith.cmpf olt, %slice3A_455, %select_n3A_454 : vector<1024x128xf32>
    %select_n3A_460 = arith.select %lt3A_459, %add3A_458, %select_n3A_453 : vector<1024x128xi1>, vector<1024x128xi32>
    %select_n3A_461 = arith.select %lt3A_459, %slice3A_455, %select_n3A_454 : vector<1024x128xi1>, vector<1024x128xf32>
    %slice3A_462 = vector.extract_strided_slice %sub3A_447 {offsets = [0, 256], sizes = [1024, 128], strides = [1, 1]} : vector<1024x2048xf32> to vector<1024x128xf32>
    %add3A_463 = arith.constant 6400 : i32
    %add3A_464 = vector.broadcast %add3A_463 : i32 to vector<1024x128xi32>
    %add3A_465 = arith.addi %iota3A, %add3A_464 : vector<1024x128xi32>
    %lt3A_466 = arith.cmpf olt, %slice3A_462, %select_n3A_461 : vector<1024x128xf32>
    %select_n3A_467 = arith.select %lt3A_466, %add3A_465, %select_n3A_460 : vector<1024x128xi1>, vector<1024x128xi32>
    %select_n3A_468 = arith.select %lt3A_466, %slice3A_462, %select_n3A_461 : vector<1024x128xi1>, vector<1024x128xf32>
    %slice3A_469 = vector.extract_strided_slice %sub3A_447 {offsets = [0, 384], sizes = [1024, 128], strides = [1, 1]} : vector<1024x2048xf32> to vector<1024x128xf32>
    %add3A_470 = arith.constant 6528 : i32
    %add3A_471 = vector.broadcast %add3A_470 : i32 to vector<1024x128xi32>
    %add3A_472 = arith.addi %iota3A, %add3A_471 : vector<1024x128xi32>
    %lt3A_473 = arith.cmpf olt, %slice3A_469, %select_n3A_468 : vector<1024x128xf32>
    %select_n3A_474 = arith.select %lt3A_473, %add3A_472, %select_n3A_467 : vector<1024x128xi1>, vector<1024x128xi32>
    %select_n3A_475 = arith.select %lt3A_473, %slice3A_469, %select_n3A_468 : vector<1024x128xi1>, vector<1024x128xf32>
    %slice3A_476 = vector.extract_strided_slice %sub3A_447 {offsets = [0, 512], sizes = [1024, 128], strides = [1, 1]} : vector<1024x2048xf32> to vector<1024x128xf32>
    %add3A_477 = arith.constant 6656 : i32
    %add3A_478 = vector.broadcast %add3A_477 : i32 to vector<1024x128xi32>
    %add3A_479 = arith.addi %iota3A, %add3A_478 : vector<1024x128xi32>
    %lt3A_480 = arith.cmpf olt, %slice3A_476, %select_n3A_475 : vector<1024x128xf32>
    %select_n3A_481 = arith.select %lt3A_480, %add3A_479, %select_n3A_474 : vector<1024x128xi1>, vector<1024x128xi32>
    %select_n3A_482 = arith.select %lt3A_480, %slice3A_476, %select_n3A_475 : vector<1024x128xi1>, vector<1024x128xf32>
    %slice3A_483 = vector.extract_strided_slice %sub3A_447 {offsets = [0, 640], sizes = [1024, 128], strides = [1, 1]} : vector<1024x2048xf32> to vector<1024x128xf32>
    %add3A_484 = arith.constant 6784 : i32
    %add3A_485 = vector.broadcast %add3A_484 : i32 to vector<1024x128xi32>
    %add3A_486 = arith.addi %iota3A, %add3A_485 : vector<1024x128xi32>
    %lt3A_487 = arith.cmpf olt, %slice3A_483, %select_n3A_482 : vector<1024x128xf32>
    %select_n3A_488 = arith.select %lt3A_487, %add3A_486, %select_n3A_481 : vector<1024x128xi1>, vector<1024x128xi32>
    %select_n3A_489 = arith.select %lt3A_487, %slice3A_483, %select_n3A_482 : vector<1024x128xi1>, vector<1024x128xf32>
    %slice3A_490 = vector.extract_strided_slice %sub3A_447 {offsets = [0, 768], sizes = [1024, 128], strides = [1, 1]} : vector<1024x2048xf32> to vector<1024x128xf32>
    %add3A_491 = arith.constant 6912 : i32
    %add3A_492 = vector.broadcast %add3A_491 : i32 to vector<1024x128xi32>
    %add3A_493 = arith.addi %iota3A, %add3A_492 : vector<1024x128xi32>
    %lt3A_494 = arith.cmpf olt, %slice3A_490, %select_n3A_489 : vector<1024x128xf32>
    %select_n3A_495 = arith.select %lt3A_494, %add3A_493, %select_n3A_488 : vector<1024x128xi1>, vector<1024x128xi32>
    %select_n3A_496 = arith.select %lt3A_494, %slice3A_490, %select_n3A_489 : vector<1024x128xi1>, vector<1024x128xf32>
    %slice3A_497 = vector.extract_strided_slice %sub3A_447 {offsets = [0, 896], sizes = [1024, 128], strides = [1, 1]} : vector<1024x2048xf32> to vector<1024x128xf32>
    %add3A_498 = arith.constant 7040 : i32
    %add3A_499 = vector.broadcast %add3A_498 : i32 to vector<1024x128xi32>
    %add3A_500 = arith.addi %iota3A, %add3A_499 : vector<1024x128xi32>
    %lt3A_501 = arith.cmpf olt, %slice3A_497, %select_n3A_496 : vector<1024x128xf32>
    %select_n3A_502 = arith.select %lt3A_501, %add3A_500, %select_n3A_495 : vector<1024x128xi1>, vector<1024x128xi32>
    %select_n3A_503 = arith.select %lt3A_501, %slice3A_497, %select_n3A_496 : vector<1024x128xi1>, vector<1024x128xf32>
    %slice3A_504 = vector.extract_strided_slice %sub3A_447 {offsets = [0, 1024], sizes = [1024, 128], strides = [1, 1]} : vector<1024x2048xf32> to vector<1024x128xf32>
    %add3A_505 = arith.constant 7168 : i32
    %add3A_506 = vector.broadcast %add3A_505 : i32 to vector<1024x128xi32>
    %add3A_507 = arith.addi %iota3A, %add3A_506 : vector<1024x128xi32>
    %lt3A_508 = arith.cmpf olt, %slice3A_504, %select_n3A_503 : vector<1024x128xf32>
    %select_n3A_509 = arith.select %lt3A_508, %add3A_507, %select_n3A_502 : vector<1024x128xi1>, vector<1024x128xi32>
    %select_n3A_510 = arith.select %lt3A_508, %slice3A_504, %select_n3A_503 : vector<1024x128xi1>, vector<1024x128xf32>
    %slice3A_511 = vector.extract_strided_slice %sub3A_447 {offsets = [0, 1152], sizes = [1024, 128], strides = [1, 1]} : vector<1024x2048xf32> to vector<1024x128xf32>
    %add3A_512 = arith.constant 7296 : i32
    %add3A_513 = vector.broadcast %add3A_512 : i32 to vector<1024x128xi32>
    %add3A_514 = arith.addi %iota3A, %add3A_513 : vector<1024x128xi32>
    %lt3A_515 = arith.cmpf olt, %slice3A_511, %select_n3A_510 : vector<1024x128xf32>
    %select_n3A_516 = arith.select %lt3A_515, %add3A_514, %select_n3A_509 : vector<1024x128xi1>, vector<1024x128xi32>
    %select_n3A_517 = arith.select %lt3A_515, %slice3A_511, %select_n3A_510 : vector<1024x128xi1>, vector<1024x128xf32>
    %slice3A_518 = vector.extract_strided_slice %sub3A_447 {offsets = [0, 1280], sizes = [1024, 128], strides = [1, 1]} : vector<1024x2048xf32> to vector<1024x128xf32>
    %add3A_519 = arith.constant 7424 : i32
    %add3A_520 = vector.broadcast %add3A_519 : i32 to vector<1024x128xi32>
    %add3A_521 = arith.addi %iota3A, %add3A_520 : vector<1024x128xi32>
    %lt3A_522 = arith.cmpf olt, %slice3A_518, %select_n3A_517 : vector<1024x128xf32>
    %select_n3A_523 = arith.select %lt3A_522, %add3A_521, %select_n3A_516 : vector<1024x128xi1>, vector<1024x128xi32>
    %select_n3A_524 = arith.select %lt3A_522, %slice3A_518, %select_n3A_517 : vector<1024x128xi1>, vector<1024x128xf32>
    %slice3A_525 = vector.extract_strided_slice %sub3A_447 {offsets = [0, 1408], sizes = [1024, 128], strides = [1, 1]} : vector<1024x2048xf32> to vector<1024x128xf32>
    %add3A_526 = arith.constant 7552 : i32
    %add3A_527 = vector.broadcast %add3A_526 : i32 to vector<1024x128xi32>
    %add3A_528 = arith.addi %iota3A, %add3A_527 : vector<1024x128xi32>
    %lt3A_529 = arith.cmpf olt, %slice3A_525, %select_n3A_524 : vector<1024x128xf32>
    %select_n3A_530 = arith.select %lt3A_529, %add3A_528, %select_n3A_523 : vector<1024x128xi1>, vector<1024x128xi32>
    %select_n3A_531 = arith.select %lt3A_529, %slice3A_525, %select_n3A_524 : vector<1024x128xi1>, vector<1024x128xf32>
    %slice3A_532 = vector.extract_strided_slice %sub3A_447 {offsets = [0, 1536], sizes = [1024, 128], strides = [1, 1]} : vector<1024x2048xf32> to vector<1024x128xf32>
    %add3A_533 = arith.constant 7680 : i32
    %add3A_534 = vector.broadcast %add3A_533 : i32 to vector<1024x128xi32>
    %add3A_535 = arith.addi %iota3A, %add3A_534 : vector<1024x128xi32>
    %lt3A_536 = arith.cmpf olt, %slice3A_532, %select_n3A_531 : vector<1024x128xf32>
    %select_n3A_537 = arith.select %lt3A_536, %add3A_535, %select_n3A_530 : vector<1024x128xi1>, vector<1024x128xi32>
    %select_n3A_538 = arith.select %lt3A_536, %slice3A_532, %select_n3A_531 : vector<1024x128xi1>, vector<1024x128xf32>
    %slice3A_539 = vector.extract_strided_slice %sub3A_447 {offsets = [0, 1664], sizes = [1024, 128], strides = [1, 1]} : vector<1024x2048xf32> to vector<1024x128xf32>
    %add3A_540 = arith.constant 7808 : i32
    %add3A_541 = vector.broadcast %add3A_540 : i32 to vector<1024x128xi32>
    %add3A_542 = arith.addi %iota3A, %add3A_541 : vector<1024x128xi32>
    %lt3A_543 = arith.cmpf olt, %slice3A_539, %select_n3A_538 : vector<1024x128xf32>
    %select_n3A_544 = arith.select %lt3A_543, %add3A_542, %select_n3A_537 : vector<1024x128xi1>, vector<1024x128xi32>
    %select_n3A_545 = arith.select %lt3A_543, %slice3A_539, %select_n3A_538 : vector<1024x128xi1>, vector<1024x128xf32>
    %slice3A_546 = vector.extract_strided_slice %sub3A_447 {offsets = [0, 1792], sizes = [1024, 128], strides = [1, 1]} : vector<1024x2048xf32> to vector<1024x128xf32>
    %add3A_547 = arith.constant 7936 : i32
    %add3A_548 = vector.broadcast %add3A_547 : i32 to vector<1024x128xi32>
    %add3A_549 = arith.addi %iota3A, %add3A_548 : vector<1024x128xi32>
    %lt3A_550 = arith.cmpf olt, %slice3A_546, %select_n3A_545 : vector<1024x128xf32>
    %select_n3A_551 = arith.select %lt3A_550, %add3A_549, %select_n3A_544 : vector<1024x128xi1>, vector<1024x128xi32>
    %select_n3A_552 = arith.select %lt3A_550, %slice3A_546, %select_n3A_545 : vector<1024x128xi1>, vector<1024x128xf32>
    %slice3A_553 = vector.extract_strided_slice %sub3A_447 {offsets = [0, 1920], sizes = [1024, 128], strides = [1, 1]} : vector<1024x2048xf32> to vector<1024x128xf32>
    %add3A_554 = arith.constant 8064 : i32
    %add3A_555 = vector.broadcast %add3A_554 : i32 to vector<1024x128xi32>
    %add3A_556 = arith.addi %iota3A, %add3A_555 : vector<1024x128xi32>
    %lt3A_557 = arith.cmpf olt, %slice3A_553, %select_n3A_552 : vector<1024x128xf32>
    %select_n3A_558 = arith.select %lt3A_557, %add3A_556, %select_n3A_551 : vector<1024x128xi1>, vector<1024x128xi32>
    %select_n3A_559 = arith.select %lt3A_557, %slice3A_553, %select_n3A_552 : vector<1024x128xi1>, vector<1024x128xf32>
    %reduce_min3A = arith.constant dense<0x7F800000> : vector<1024xf32>
    %reduce_min3A_560 = vector.multi_reduction <minimumf>, %select_n3A_199, %reduce_min3A [1] : vector<1024x128xf32> to vector<1024xf32>
    %broadcast_in_dim3A_561 = vector.shape_cast %reduce_min3A_560 : vector<1024xf32> to vector<1024x1xf32>
    %eq3A = vector.broadcast %broadcast_in_dim3A_561 : vector<1024x1xf32> to vector<1024x128xf32>
    %eq3A_562 = arith.cmpf oeq, %select_n3A_199, %eq3A : vector<1024x128xf32>
    %jit3A = arith.constant 8192 : i32
    %broadcast_in_dim3A_563 = vector.broadcast %jit3A : i32 to vector<1024x128xi32>
    %select_n3A_564 = arith.select %eq3A_562, %select_n3A_198, %broadcast_in_dim3A_563 : vector<1024x128xi1>, vector<1024x128xi32>
    %reduce_min3A_565 = arith.constant dense<2147483647> : vector<1024xi32>
    %reduce_min3A_566 = vector.multi_reduction <minsi>, %select_n3A_564, %reduce_min3A_565 [1] : vector<1024x128xi32> to vector<1024xi32>
    %broadcast_in_dim3A_567 = vector.shape_cast %reduce_min3A_566 : vector<1024xi32> to vector<1024x1xi32>
    %convert_element_type3A = arith.truncf %broadcast_in_dim3A_561 : vector<1024x1xf32> to vector<1024x1xbf16>
    %convert_element_type3A_568 = arith.extf %convert_element_type3A : vector<1024x1xbf16> to vector<1024x1xf32>
    %reduce_min3A_569 = arith.constant dense<0x7F800000> : vector<1024xf32>
    %reduce_min3A_570 = vector.multi_reduction <minimumf>, %select_n3A_383, %reduce_min3A_569 [1] : vector<1024x128xf32> to vector<1024xf32>
    %broadcast_in_dim3A_571 = vector.shape_cast %reduce_min3A_570 : vector<1024xf32> to vector<1024x1xf32>
    %eq3A_572 = vector.broadcast %broadcast_in_dim3A_571 : vector<1024x1xf32> to vector<1024x128xf32>
    %eq3A_573 = arith.cmpf oeq, %select_n3A_383, %eq3A_572 : vector<1024x128xf32>
    %jit3A_574 = arith.constant 8192 : i32
    %broadcast_in_dim3A_575 = vector.broadcast %jit3A_574 : i32 to vector<1024x128xi32>
    %select_n3A_576 = arith.select %eq3A_573, %select_n3A_382, %broadcast_in_dim3A_575 : vector<1024x128xi1>, vector<1024x128xi32>
    %reduce_min3A_577 = arith.constant dense<2147483647> : vector<1024xi32>
    %reduce_min3A_578 = vector.multi_reduction <minsi>, %select_n3A_576, %reduce_min3A_577 [1] : vector<1024x128xi32> to vector<1024xi32>
    %broadcast_in_dim3A_579 = vector.shape_cast %reduce_min3A_578 : vector<1024xi32> to vector<1024x1xi32>
    %lt3A_580 = arith.cmpf olt, %broadcast_in_dim3A_571, %convert_element_type3A_568 : vector<1024x1xf32>
    %select_n3A_581 = arith.select %lt3A_580, %broadcast_in_dim3A_579, %broadcast_in_dim3A_567 : vector<1024x1xi1>, vector<1024x1xi32>
    %select_n3A_582 = arith.select %lt3A_580, %broadcast_in_dim3A_571, %convert_element_type3A_568 : vector<1024x1xi1>, vector<1024x1xf32>
    %convert_element_type3A_583 = arith.truncf %select_n3A_582 : vector<1024x1xf32> to vector<1024x1xbf16>
    %convert_element_type3A_584 = arith.extf %convert_element_type3A_583 : vector<1024x1xbf16> to vector<1024x1xf32>
    %reduce_min3A_585 = arith.constant dense<0x7F800000> : vector<1024xf32>
    %reduce_min3A_586 = vector.multi_reduction <minimumf>, %select_n3A_559, %reduce_min3A_585 [1] : vector<1024x128xf32> to vector<1024xf32>
    %broadcast_in_dim3A_587 = vector.shape_cast %reduce_min3A_586 : vector<1024xf32> to vector<1024x1xf32>
    %eq3A_588 = vector.broadcast %broadcast_in_dim3A_587 : vector<1024x1xf32> to vector<1024x128xf32>
    %eq3A_589 = arith.cmpf oeq, %select_n3A_559, %eq3A_588 : vector<1024x128xf32>
    %jit3A_590 = arith.constant 8192 : i32
    %broadcast_in_dim3A_591 = vector.broadcast %jit3A_590 : i32 to vector<1024x128xi32>
    %select_n3A_592 = arith.select %eq3A_589, %select_n3A_558, %broadcast_in_dim3A_591 : vector<1024x128xi1>, vector<1024x128xi32>
    %reduce_min3A_593 = arith.constant dense<2147483647> : vector<1024xi32>
    %reduce_min3A_594 = vector.multi_reduction <minsi>, %select_n3A_592, %reduce_min3A_593 [1] : vector<1024x128xi32> to vector<1024xi32>
    %broadcast_in_dim3A_595 = vector.shape_cast %reduce_min3A_594 : vector<1024xi32> to vector<1024x1xi32>
    %lt3A_596 = arith.cmpf olt, %broadcast_in_dim3A_587, %convert_element_type3A_584 : vector<1024x1xf32>
    %select_n3A_597 = arith.select %lt3A_596, %broadcast_in_dim3A_595, %select_n3A_581 : vector<1024x1xi1>, vector<1024x1xi32>
    %swap3A = arith.constant 0 : index
    %swap3A_598 = arith.constant 0 : index
    %swap3A_599 = vector.load %arg5[%swap3A, %swap3A_598] : memref<1024x1xi32, #tpu.memory_space<vmem>>, vector<1024x1xi32>
    tpu.vector_store %arg5[%swap3A, %swap3A_598], %select_n3A_597 {strides = array<i32>} : memref<1024x1xi32, #tpu.memory_space<vmem>>, vector<1024x1xi32>,
    return
  }
  func.func @transform_0(%arg0: i32) -> (i32, i32) {
    %c0_i32 = arith.constant 0 : i32
    %c0_i32_0 = arith.constant 0 : i32
    return %arg0, %c0_i32 : i32, i32
  }
  func.func @transform_1(%arg0: i32) -> (i32, i32) {
    %c0_i32 = arith.constant 0 : i32
    %c0_i32_0 = arith.constant 0 : i32
    %c0_i32_1 = arith.constant 0 : i32
    return %c0_i32, %c0_i32_0 : i32, i32
  }
  func.func @transform_2(%arg0: i32) -> (i32, i32) {
    %c0_i32 = arith.constant 0 : i32
    %c0_i32_0 = arith.constant 0 : i32
    return %arg0, %c0_i32 : i32, i32
  }
  func.func @transform_3(%arg0: i32) -> (i32, i32) {
    %c0_i32 = arith.constant 0 : i32
    %c0_i32_0 = arith.constant 0 : i32
    %c0_i32_1 = arith.constant 0 : i32
    return %c0_i32, %c0_i32_0 : i32, i32
  }
  func.func @transform_4(%arg0: i32) -> (i32, i32) {
    %c0_i32 = arith.constant 0 : i32
    %c0_i32_0 = arith.constant 0 : i32
    return %arg0, %c0_i32 : i32, i32
  }
}

</mosaic_0001>

<sc_bundles>
// kernel: kernel.4.cloned.1.call-start
scs
__scs_entry_jumppad:
0x0: {  	(pc) =	sbr.rel $0x88, $3  }
0x1: {  	(tag) =	ssettag $0x0;
	lr =	simm.s32 $0x1  }
0x2: {  	[smem:$0x3F9F] =	sst lr;
	_ =	strace $0xD0000000  }
0x3: {  	_ = 	snop  }
0x4: {  	_ = 	snop  }
0x5: {  	_ = 	snop  }
0x6: {  	_ = 	snop  }
0x7: {  	_ = 	snop  }
__scs_overlays_trampoline_lowered:
0x8: {  	[smem:$0x3FAE] =	sst s0  }
0x9: {  	[smem:$0x3FAF] =	sst s1  }
0xa: {  	[smem:$0x3FB0] =	sst s2  }
0xb: {  	[smem:$0x3FB1] =	sst s3  }
0xc: {  	[smem:$0x3FB2] =	sst s4  }
0xd: {  	[smem:$0x3FB3] =	sst s5  }
0xe: {  	[smem:$0x3FB4] =	sst s6  }
0xf: {  	[smem:$0x3FB5] =	sst s7  }
0x10: {  	[smem:$0x3FB6] =	sst s8  }
0x11: {  	[smem:$0x3FB7] =	sst s9;
	s0 =	simm.s32 @!p0 $0x0  }
0x12: {  	s1 =	sld [smem:$0x3F9D];
	s0 =	simm.s32 @p0 $0x1  }
0x13: {  	[smem:$0x3FB8] =	sst s0;
	s0 =	simm.s32 @!p1 $0x0  }
0x14: {  	s2 =	sld [smem:$0x3F9C];
	s0 =	simm.s32 @p1 $0x1  }
0x15: {  	[smem:$0x3FB9] =	sst s0;
	s0 =	simm.s32 @!p2 $0x0  }
0x16: {  	s3 =	sld [smem:$0x3FDB];
	s0 =	simm.s32 @p2 $0x1  }
0x17: {  	s4 =	simm.s32 $0x1BF5;
	[smem:$0x3FBB] =	sst s0  }
0x18: {  	s0 =	sld [smem:$0x3F9E];
	_ =	swait.ge [sflag:s4], $0x0  }
0x19: {  	s7 =	sld [smem:$0x3F9F]  }
0x1a: {  	s8 =	sadd.s32 $0xFFFFE003, lr  }
0x1b: {  	s9 =	sadd.s32 $0xFFFFFEF7, lr;
	s5 =	simm.s32 $0xFFFFFFFF;
	p2 =	slt.u32 s8, $0xFFFFF086  }
0x1c: {  	p1 =	slt.u32 s9, $0xF7A;
	s5 =	simm.s32 @!p2 $0x0  }
0x1d: {  	s5 =	simm.s32 @p1 $0x1;
	p0 =	seq.s32 s7, s2  }
0x1e: {  	s7 =	smul.u32 @!p0 $0xF7A, s2;
	p2 =	seq.s32 @!p0 s5, $0x0  }
0x1f: {  	s9 =	smul.u32 $0xF7A, s1;
	s8 =	simm.s32 @!p0 $0x1BF5;
	p2 =	por !p2, p0  }
0x20: {  	[sflag:s8] =	ssyncset.s32 @!p0 $0xFFFFF086;
	s6 =	sadd.s32 @!p0 s3, s7;
	s7 =	simm.s32 @!p0 $0x108  }
0x21: {  	s3 =	sadd.s32 s3, s9;
	s6 =	sadd.s32 @!p0 $0x88, s6;
	s7 =	simm.s32 @p2 $0x1082  }
0x22: {  	[simem:s7], [sflag:s8] =	dma.local @!p0 [hbm:s6], $0xF7A  }
0x23: {  	s9 =	sor.u32 $0xD0000000, s2;
	s6 =	simm.s32 $0x108;
	_ =	swait.ge @!p0 [sflag:s8], $0x0  }
0x24: {  	s3 =	sadd.s32 $0x88, s3;
	s6 =	simm.s32 @!p1 $0x1082;
	[sflag:s4] =	ssyncset.s32 $0xFFFFF086  }
0x25: {  	[simem:s6], [sflag:s4] =	dma.local [hbm:s3], $0xF7A  }
0x26: {  	[smem:$0x3F9F] =	sst s1;
	(tag) =	ssettag s2;
	_ =	strace s9  }
0x27: {  	s1 =	sld [smem:$0x3FAF]  }
0x28: {  	s2 =	sld [smem:$0x3FB0]  }
0x29: {  	s4 =	sld [smem:$0x3FB2]  }
0x2a: {  	p0 =	seq.s32 s5, $0x0;
	s5 =	sld [smem:$0x3FB3]  }
0x2b: {  	s6 =	sld [smem:$0x3FB4]  }
0x2c: {  	s7 =	sld [smem:$0x3FB5]  }
0x2d: {  	s3 =	simm.s32 $0x108;
	s8 =	sld [smem:$0x3FB6]  }
0x2e: {  	s3 =	simm.s32 @!p0 $0x1082;
	s9 =	sld [smem:$0x3FB7]  }
0x2f: {  	lr =	sadd.s32 s0, s3;
	s0 =	sld [smem:$0x3FAE]  }
0x30: {  	s3 =	sld [smem:$0x3FB1]  }
0x31: {  	[smem:$0x3FBA] =	sst s10  }
0x32: {  	s10 =	sld [smem:$0x3FB8];
	_ =	sdelay $0x3  }
0x33: {  	p0 =	seq.s32 s10, $0x1;
	s10 =	sld [smem:$0x3FBA];
	_ =	sdelay $0x3  }
0x34: {  	[smem:$0x3FBA] =	sst s10  }
0x35: {  	s10 =	sld [smem:$0x3FB9];
	_ =	sdelay $0x3  }
0x36: {  	p1 =	seq.s32 s10, $0x1;
	s10 =	sld [smem:$0x3FBA];
	_ =	sdelay $0x3  }
0x37: {  	[smem:$0x3FBA] =	sst s10  }
0x38: {  	s10 =	sld [smem:$0x3FBB]  }
0x39: {  	_ = 	snop;
	(pc) =	sbr.ind lr, $3  }
0x3a: {  	_ = 	snop  }
0x3b: {  	_ = 	snop  }
0x3c: {  	p2 =	seq.s32 s10, $0x1;
	s10 =	sld [smem:$0x3FBA]  }
0x3d: {  	_ =	shalt  }
0x3e: {  	_ =	shalt  }
0x3f: {  	_ =	shalt  }
0x40: {  	_ =	shalt  }
0x41: {  	_ =	shalt  }
0x42: {  	_ =	shalt  }
0x43: {  	_ =	shalt  }
0x44: {  	_ =	shalt  }
0x45: {  	_ =	shalt  }
0x46: {  	_ =	shalt  }
0x47: {  	_ =	shalt  }
0x48: {  	_ =	shalt  }
0x49: {  	_ =	shalt  }
0x4a: {  	_ =	shalt  }
0x4b: {  	_ =	shalt  }
0x4c: {  	_ =	shalt  }
0x4d: {  	_ =	shalt  }
0x4e: {  	_ =	shalt  }
0x4f: {  	_ =	shalt  }
0x50: {  	_ =	shalt  }
0x51: {  	_ =	shalt  }
0x52: {  	_ =	shalt  }
0x53: {  	_ =	shalt  }
0x54: {  	_ =	shalt  }
0x55: {  	_ =	shalt  }
0x56: {  	_ =	shalt  }
0x57: {  	_ =	shalt  }
0x58: {  	_ =	shalt  }
0x59: {  	_ =	shalt  }
0x5a: {  	_ =	shalt  }
0x5b: {  	_ =	shalt  }
0x5c: {  	_ =	shalt  }
0x5d: {  	_ =	shalt  }
0x5e: {  	_ =	shalt  }
0x5f: {  	_ =	shalt  }
0x60: {  	_ =	shalt  }
0x61: {  	_ =	shalt  }
0x62: {  	_ =	shalt  }
0x63: {  	_ =	shalt  }
0x64: {  	_ =	shalt  }
0x65: {  	_ =	shalt  }
0x66: {  	_ =	shalt  }
0x67: {  	_ =	shalt  }
0x68: {  	_ =	shalt  }
0x69: {  	_ =	shalt  }
0x6a: {  	_ =	shalt  }
0x6b: {  	_ =	shalt  }
0x6c: {  	_ =	shalt  }
0x6d: {  	_ =	shalt  }
0x6e: {  	_ =	shalt  }
0x6f: {  	_ =	shalt  }
0x70: {  	_ =	shalt  }
0x71: {  	_ =	shalt  }
0x72: {  	_ =	shalt  }
0x73: {  	_ =	shalt  }
0x74: {  	_ =	shalt  }
0x75: {  	_ =	shalt  }
0x76: {  	_ =	shalt  }
0x77: {  	_ =	shalt  }
0x78: {  	_ =	shalt  }
0x79: {  	_ =	shalt  }
0x7a: {  	_ =	shalt  }
0x7b: {  	_ =	shalt  }
0x7c: {  	_ =	shalt  }
0x7d: {  	_ =	shalt  }
0x7e: {  	_ =	shalt  }
0x7f: {  	_ =	shalt  }
0x80: {  	_ =	shalt  }
0x81: {  	_ =	shalt  }
0x82: {  	_ =	shalt  }
0x83: {  	_ =	shalt  }
0x84: {  	_ =	shalt  }
0x85: {  	_ =	shalt  }
0x86: {  	_ =	shalt  }
0x87: {  	_ =	shalt  }
.Lfunc_end0:
.L_simem_size_0:
called_computation_lowered:
.L_overlay_start_0:
0x88: {  	s2 =	sld [smem:$0x3FD9]  }
0x89: {  	s3 =	sld [smem:$0x3FFE];
	_ =	sdelay $0x1  }
0x8a: {  	s1 =	srdreg.scid  }
0x8b: {  	s0 =	sand.u32 $0x1, s1  }
0x8c: {  	s15 =	sshll.u32 s0, $0xA;
	s2 =	sadd.s32 s3, s2  }
0x8d: {  	s2 =	sadd.s32 s2, s15  }
0x8e: {  	[smem:$0x3FC6] =	sst s2  }
0x8f: {  	_ = 	snop  }
0x90: {  	s2 =	sld [smem:$0x3FD0];
	_ =	sdelay $0x2  }
0x91: {  	s4 =	simm.s32 $0xA;
	s5 =	simm.s32 $0x10;
	s16 =	sld [smem:$0x3FC8]  }
0x92: {  	[smem:s5], [sflag:s4] =	dma.local [hbm:s2], $0x1  }
0x93: {  	_ =	swait.eq [sflag:s4], $0x1  }
0x94: {  	[sflag:s4] =	ssyncset.done $0x0  }
0x95: {  	s17 =	sld [smem:$0x10];
	[sflag:s4] =	ssyncadd.s32 $0xFFFFFFFF  }
0x96: {  	s18 =	sld [smem:$0x11];
	(tm) =	ssettm $0x1  }
0x97: {  	s19 =	sld [smem:$0x3FFB];
	_ =	sdelay $0x3  }
0x98: {  	_ =	strace s19  }
0x99: {  	s5 =	sld [smem:$0x3FFC];
	_ =	sdelay $0x3  }
0x9a: {  	_ =	strace s5  }
0x9b: {  	s5 =	sld [smem:$0x3FFD];
	_ =	sdelay $0x3  }
0x9c: {  	_ =	strace s5  }
0x9d: {  	_ =	strace $0x8FFFFFFF  }
0x9e: {  	s20 =	sld [smem:$0x3FDB];
	_ =	sdelay $0x1  }
0x9f: {  	s6 =	simm.s32 $_scs_section_size  }
0xa0: {  	s7 =	simm.s32 $_size__tile_overlayer_lowered;
	s8 =	simm.s32 $_tile_overlayer_lowered  }
0xa1: {  	s23 =	simm.s32 $0x1BFF;
	s22 =	sshll.u32 s8, $0x1;
	s5 =	sadd.s32 s6, s20  }
0xa2: {  	s9 =	simm.s32 $0x0;
	s21 =	sshll.u32 s7, $0x1;
	s7 =	sadd.s32 s22, s5  }
0xa3: {  	[timem:s9], [sflag:s23] =	dma.local [hbm:s7], s21  }
0xa4: {  	_ =	swait.ge [sflag:s23], s21  }
0xa5: {  	s6 =	ssub.s32 $0x0, s21;
	[sflag:s23] =	ssyncset.done $0x0  }
0xa6: {  	[sflag:s23] =	ssyncadd.s32 s6;
	_ =	sdelay $0x1  }
0xa7: {  	s24 =	simm.s32 $0x1B8B  }
0xa8: {  	_ =	swait.ge [sflag:s24], $0x1  }
0xa9: {  	[sflag:s24] =	ssyncset.done $0x0  }
0xaa: {  	s25 =	simm.s32 $0x1B8E;
	[sflag:s24] =	ssyncadd.s32 $0xFFFFFFFF  }
0xab: {  	s26 =	simm.s32 $execute0_lowered;
	[smem:$0x3FD2] =	sst s25  }
0xac: {  	s6 =	sshll.u32 s26, $0x1;
	_ =	strace $0x80000046;
	[dreg:$0x1] =	wrdreg $0xFFFFFFFF  }
0xad: {  	s28 =	simm.s32 $_size_execute0_lowered;
	s5 =	sadd.s32 s5, s6;
	[dreg:$0x0] =	wrdreg $0x0  }
0xae: {  	s6 =	sshll.u32 s28, $0x1;
	[dreg:$0x2] =	wrdreg s5  }
0xaf: {  	[dreg:$0x3] =	wrdreg s6  }
0xb0: {  	[dreg:$0x4] =	wrdreg $0xC0  }
0xb1: {  	_ =	task [dreg:s9], $0x5FFFF  }
0xb2: {  	[dreg:$0x1] =	wrdreg $0xFFFFFFFF  }
0xb3: {  	[dreg:$0x0] =	wrdreg $0x60  }
0xb4: {  	[dreg:$0x2] =	wrdreg s17  }
0xb5: {  	[dreg:$0x3] =	wrdreg s16  }
0xb6: {  	[dreg:$0x4] =	wrdreg s18  }
0xb7: {  	[dreg:$0x5] =	wrdreg $0x9  }
0xb8: {  	_ =	task.clear_ibuf [dreg:s9], $0x6FFFF;
	_ =	strace $0x90000046  }
0xb9: {  	s29 =	simm.s32 $0x9;
	_ =	strace $0x80000048  }
0xba: {  	_ =	swait.ge [sflag:s29], $0x1  }
0xbb: {  	[sflag:s29] =	ssyncadd.s32 $0xFFFFFFFF  }
0xbc: {  	_ =	strace $0x90000048  }
0xbd: {  	_ =	sfence  }
0xbe: {  	s30 =	sld [smem:$0x0];
	_ =	sdelay $0x2  }
0xbf: {  	s31 =	sshll.u32 s1, $0xD;
	s1 =	sshrl.u32 s1, $0x2  }
0xc0: {  	s3 =	sand.u32 $0x4000, s31;
	s1 =	sadd.s32 s1, s30  }
0xc1: {  	s0 =	sor.u32 s3, s0;
	s1 =	sshll.u32 s1, $0x11  }
0xc2: {  	s0 =	sor.u32 s1, s0  }
0xc3: {  	s0 =	sadd.s32 $0x8F2B, s0  }
0xc4: {  	[sflag:s0] =	ssyncadd.remote.s32 $0x1  }
0xc5: {  	_ =	sfence.sel $0xFFFF  }
0xc6: {  	[dreg:$0x0] =	wrdreg $0xFFFFFFFF;
	(pc) =	sbr.abs _section_cstart, $3  }
0xc7: {  	[dreg:$0x1] =	wrdreg $0xFFFFFFFF  }
0xc8: {  	_ =	task.clear_ibuf [dreg:s9], $0x2FFFF;
	_ =	strace $0x9FFFFFFF  }
0xc9: {  	(tm) =	ssettm $0x7FFFFFFF  }
tec
execute0_lowered:
.L_overlay_start_1:
0x0: {  	(tag) =	ssettag $0x1  }
0x1: {  	s0 =	rddreg [dreg:$0x0]  }
0x2: {  	s1 =	srdreg.scid;
	s2 =	rddreg [dreg:$0x1]  }
0x3: {  	s3 =	stileid.u32;
	s4 =	rddreg [dreg:$0x2]  }
0x4: {  	s7 =	simm.s32 $0x2;
	s17 =	simm.s32 $0x1200;
	s18 =	simm.s32 $0x1A00  }
0x5: {  	s19 =	simm.s32 $0x2200;
	s20 =	simm.s32 $0x2A00;
	s21 =	simm.s32 $0x3200  }
0x6: {  	s22 =	simm.s32 $0x3A00;
	s28 =	simm.s32 $0x5200;
	s29 =	simm.s32 $0x5A00  }
0x7: {  	s30 =	simm.s32 $0x6200;
	s31 =	simm.s32 $0x6A00;
	s8 =	simm.s32 $0x8A00  }
0x8: {  	s9 =	simm.s32 $0x9200;
	s10 =	simm.s32 $0x9A00;
	s11 =	simm.s32 $0xA200  }
0x9: {  	s13 =	simm.s32 $0xB200;
	s14 =	simm.s32 $0xBA00;
	s1 =	sand.u32 $0x1, s1  }
0xa: {  	s5 =	sshll.u32 s3, $0xA;
	s3 =	simm.s32 $0x0;
	s6 =	sshll.u32 s1, $0x9  }
0xb: {  	s15 =	simm.s32 $0x200;
	[smem:$0x7FF] =	sst s3;
	s5 =	sor.u32 s6, s5  }
0xc: {  	s1 =	ssub.s32 $0x2, s1;
	_ =	strace $0x80000047;
	s6 =	sshrl.u32 s5, $0x3  }
0xd: {  	s25 =	sshrl.u32 s1, $0x1;
	s5 =	sshll.u32 s5, $0x5;
	s0 =	sadd.s32 s0, s6  }
0xe: {  	s1 =	ssub.s32 s1, s25;
	s4 =	sadd.s32 s4, s5;
	[dreg:$0x4] =	wrdreg s0  }
0xf: {  	s25 =	simm.s32 $0x4200;
	s23 =	sadd.s32 $0x1000, s4;
	[dreg:$0x8] =	wrdreg s4  }
0x10: {  	s5 =	smax.u32 s1, $0x1;
	s24 =	sadd.s32 $0x2000, s4;
	[dreg:$0x5] =	wrdreg s23  }
0x11: {  	v2 =	vlaneseq.u32;
	s6 =	simm.s32 $0x3;
	s26 =	sadd.s32 $0x3000, s4;
	[dreg:$0x6] =	wrdreg s24  }
0x12: {  	vm0 =	vmmov $0xffff;
	v1 =	vshrl.u32 v2, $0x3;
	s1 =	simm.s32 $0x7200;
	s4 =	simm.s32 $0x7A00;
	[dreg:$0x7] =	wrdreg s26  }
0x13: {  	v0 =	vand.u32 $0x7, v2;
	v2 =	vor.u32 $0x8, v2;
	v1 =	vmul.u32 $0x8, v1;
	s26 =	simm.s32 $0x4A00;
	s23 =	simm.s32 $0x8200;
	s24 =	simm.s32 $0xCA00  }
.LBB2_1:
0x14: {  	s16 =	rddreg [dreg:$0x4]  }
0x15: {  	[tilespmem:s3], [sflag:$0x3] =	stream.linear.gather [hbm4b:s16+s3], $0x200, $0x38;
	[tilespmem:$0x10200] =	vst v63  }
0x16: {  	_ =	swait.ge [sflag:s6], $0x200  }
0x17: {  	[sflag:s6] =	ssyncset.done $0x0  }
0x18: {  	[sflag:s6] =	ssyncadd.s32 $0xFFFFFE00  }
0x19: {  	v3 =	vld [tilespmem:$0x0];
	_ =	sdelay $0x4  }
0x1a: {  	v4 =	vshll.u32 v3, $0x1  }
0x1b: {  	v3 =	vand.u32 $0x7, v3;
	v4 =	vand.u32 $0xFFFFFFF0, v4  }
0x1c: {  	v3 =	vor.u32 v3, v4  }
0x1d: {  	v4 =	vperm.xlane v3, v0;
	_ =	sdelay $0x1  }
0x1e: {  	v3 =	vperm.xlane v3, v2;
	v4 =	vadd.s32 v1, v4;
	_ =	sdelay $0x1  }
0x1f: {  	v3 =	vadd.s32 v1, v3;
	_ =	sdelay $0x1  }
0x20: {  	s0 =	simm.s32 $0x200  }
0x21: {  	[tilespmem:s0], [sflag:$0x1] =	stream.indirect_vreg.gather [hbm4b:s2+s3], $0x80, v4, vm0, $0xb8;
	[tilespmem:$0x10200] =	vst v63  }
0x22: {  	s16 =	simm.s32 $0xA00  }
0x23: {  	[tilespmem:s16], [sflag:$0x1] =	stream.indirect_vreg.gather [hbm4b:s2+s3], $0x80, v3, vm0, $0xb8;
	[tilespmem:$0x10200] =	vst v63  }
0x24: {  	v3 =	vld [tilespmem:$0x10];
	_ =	sdelay $0x4  }
0x25: {  	v33 =	vshll.u32 v3, $0x1  }
0x26: {  	v3 =	vand.u32 $0x7, v3;
	v4 =	vand.u32 $0xFFFFFFF0, v33  }
0x27: {  	v3 =	vor.u32 v3, v4  }
0x28: {  	v4 =	vperm.xlane v3, v0;
	_ =	sdelay $0x1  }
0x29: {  	v3 =	vperm.xlane v3, v2;
	v4 =	vadd.s32 v1, v4;
	_ =	sdelay $0x1  }
0x2a: {  	v3 =	vadd.s32 v1, v3;
	_ =	sdelay $0x2  }
0x2b: {  	[tilespmem:s17], [sflag:$0x1] =	stream.indirect_vreg.gather [hbm4b:s2+s3], $0x80, v4, vm0, $0xb8;
	[tilespmem:$0x10200] =	vst v63  }
0x2c: {  	_ = 	snop  }
0x2d: {  	[tilespmem:s18], [sflag:$0x1] =	stream.indirect_vreg.gather [hbm4b:s2+s3], $0x80, v3, vm0, $0xb8;
	[tilespmem:$0x10200] =	vst v63  }
0x2e: {  	v3 =	vld [tilespmem:$0x20];
	_ =	sdelay $0x4  }
0x2f: {  	v34 =	vshll.u32 v3, $0x1  }
0x30: {  	v3 =	vand.u32 $0x7, v3;
	v4 =	vand.u32 $0xFFFFFFF0, v34  }
0x31: {  	v3 =	vor.u32 v3, v4  }
0x32: {  	v4 =	vperm.xlane v3, v0;
	_ =	sdelay $0x1  }
0x33: {  	v3 =	vperm.xlane v3, v2;
	v4 =	vadd.s32 v1, v4;
	_ =	sdelay $0x1  }
0x34: {  	v3 =	vadd.s32 v1, v3;
	_ =	sdelay $0x2  }
0x35: {  	[tilespmem:s19], [sflag:$0x1] =	stream.indirect_vreg.gather [hbm4b:s2+s3], $0x80, v4, vm0, $0xb8;
	[tilespmem:$0x10200] =	vst v63  }
0x36: {  	_ = 	snop  }
0x37: {  	[tilespmem:s20], [sflag:$0x1] =	stream.indirect_vreg.gather [hbm4b:s2+s3], $0x80, v3, vm0, $0xb8;
	[tilespmem:$0x10200] =	vst v63  }
0x38: {  	v3 =	vld [tilespmem:$0x30];
	_ =	sdelay $0x4  }
0x39: {  	v35 =	vshll.u32 v3, $0x1  }
0x3a: {  	v3 =	vand.u32 $0x7, v3;
	v4 =	vand.u32 $0xFFFFFFF0, v35  }
0x3b: {  	v3 =	vor.u32 v3, v4  }
0x3c: {  	v4 =	vperm.xlane v3, v0;
	_ =	sdelay $0x1  }
0x3d: {  	v3 =	vperm.xlane v3, v2;
	v4 =	vadd.s32 v1, v4;
	_ =	sdelay $0x1  }
0x3e: {  	v3 =	vadd.s32 v1, v3;
	_ =	sdelay $0x2  }
0x3f: {  	[tilespmem:s21], [sflag:$0x1] =	stream.indirect_vreg.gather [hbm4b:s2+s3], $0x80, v4, vm0, $0xb8;
	[tilespmem:$0x10200] =	vst v63  }
0x40: {  	_ = 	snop  }
0x41: {  	[tilespmem:s22], [sflag:$0x1] =	stream.indirect_vreg.gather [hbm4b:s2+s3], $0x80, v3, vm0, $0xb8;
	[tilespmem:$0x10200] =	vst v63  }
0x42: {  	v3 =	vld [tilespmem:$0x40];
	_ =	sdelay $0x4  }
0x43: {  	v36 =	vshll.u32 v3, $0x1  }
0x44: {  	v3 =	vand.u32 $0x7, v3;
	v4 =	vand.u32 $0xFFFFFFF0, v36  }
0x45: {  	v3 =	vor.u32 v3, v4  }
0x46: {  	v4 =	vperm.xlane v3, v0;
	_ =	sdelay $0x1  }
0x47: {  	v3 =	vperm.xlane v3, v2;
	v4 =	vadd.s32 v1, v4;
	_ =	sdelay $0x1  }
0x48: {  	v3 =	vadd.s32 v1, v3;
	_ =	sdelay $0x2  }
0x49: {  	[tilespmem:s25], [sflag:$0x1] =	stream.indirect_vreg.gather [hbm4b:s2+s3], $0x80, v4, vm0, $0xb8;
	[tilespmem:$0x10200] =	vst v63  }
0x4a: {  	_ = 	snop  }
0x4b: {  	[tilespmem:s26], [sflag:$0x1] =	stream.indirect_vreg.gather [hbm4b:s2+s3], $0x80, v3, vm0, $0xb8;
	[tilespmem:$0x10200] =	vst v63  }
0x4c: {  	v3 =	vld [tilespmem:$0x50];
	_ =	sdelay $0x4  }
0x4d: {  	v37 =	vshll.u32 v3, $0x1  }
0x4e: {  	v3 =	vand.u32 $0x7, v3;
	v4 =	vand.u32 $0xFFFFFFF0, v37  }
0x4f: {  	v3 =	vor.u32 v3, v4  }
0x50: {  	v4 =	vperm.xlane v3, v0;
	_ =	sdelay $0x1  }
0x51: {  	v3 =	vperm.xlane v3, v2;
	v4 =	vadd.s32 v1, v4;
	_ =	sdelay $0x1  }
0x52: {  	v3 =	vadd.s32 v1, v3;
	_ =	sdelay $0x2  }
0x53: {  	[tilespmem:s28], [sflag:$0x1] =	stream.indirect_vreg.gather [hbm4b:s2+s3], $0x80, v4, vm0, $0xb8;
	[tilespmem:$0x10200] =	vst v63  }
0x54: {  	_ = 	snop  }
0x55: {  	[tilespmem:s29], [sflag:$0x1] =	stream.indirect_vreg.gather [hbm4b:s2+s3], $0x80, v3, vm0, $0xb8;
	[tilespmem:$0x10200] =	vst v63  }
0x56: {  	v3 =	vld [tilespmem:$0x60];
	_ =	sdelay $0x4  }
0x57: {  	v38 =	vshll.u32 v3, $0x1  }
0x58: {  	v3 =	vand.u32 $0x7, v3;
	v4 =	vand.u32 $0xFFFFFFF0, v38  }
0x59: {  	v3 =	vor.u32 v3, v4  }
0x5a: {  	v4 =	vperm.xlane v3, v0;
	_ =	sdelay $0x1  }
0x5b: {  	v3 =	vperm.xlane v3, v2;
	v4 =	vadd.s32 v1, v4;
	_ =	sdelay $0x1  }
0x5c: {  	v3 =	vadd.s32 v1, v3;
	_ =	sdelay $0x2  }
0x5d: {  	[tilespmem:s30], [sflag:$0x1] =	stream.indirect_vreg.gather [hbm4b:s2+s3], $0x80, v4, vm0, $0xb8;
	[tilespmem:$0x10200] =	vst v63  }
0x5e: {  	_ = 	snop  }
0x5f: {  	[tilespmem:s31], [sflag:$0x1] =	stream.indirect_vreg.gather [hbm4b:s2+s3], $0x80, v3, vm0, $0xb8;
	[tilespmem:$0x10200] =	vst v63  }
0x60: {  	v3 =	vld [tilespmem:$0x70];
	_ =	sdelay $0x4  }
0x61: {  	v39 =	vshll.u32 v3, $0x1  }
0x62: {  	v3 =	vand.u32 $0x7, v3;
	v4 =	vand.u32 $0xFFFFFFF0, v39  }
0x63: {  	v3 =	vor.u32 v3, v4  }
0x64: {  	v4 =	vperm.xlane v3, v0;
	_ =	sdelay $0x1  }
0x65: {  	v3 =	vperm.xlane v3, v2;
	v4 =	vadd.s32 v1, v4;
	_ =	sdelay $0x1  }
0x66: {  	v3 =	vadd.s32 v1, v3;
	_ =	sdelay $0x2  }
0x67: {  	[tilespmem:s1], [sflag:$0x1] =	stream.indirect_vreg.gather [hbm4b:s2+s3], $0x80, v4, vm0, $0xb8;
	[tilespmem:$0x10200] =	vst v63  }
0x68: {  	s0 =	simm.s32 $0x1  }
0x69: {  	[tilespmem:s4], [sflag:$0x1] =	stream.indirect_vreg.gather [hbm4b:s2+s3], $0x80, v3, vm0, $0xb8;
	[tilespmem:$0x10200] =	vst v63  }
0x6a: {  	_ =	swait.ge [sflag:s0], $0x8000  }
0x6b: {  	[sflag:s0] =	ssyncset.done $0x0  }
0x6c: {  	[sflag:s0] =	ssyncadd.s32 $0xFFFF8000  }
0x6d: {  	v3 =	vld [tilespmem:$0x80];
	_ =	sdelay $0x4  }
0x6e: {  	v40 =	vshll.u32 v3, $0x1  }
0x6f: {  	v3 =	vand.u32 $0x7, v3;
	v4 =	vand.u32 $0xFFFFFFF0, v40  }
0x70: {  	v3 =	vor.u32 v3, v4  }
0x71: {  	v4 =	vperm.xlane v3, v0;
	_ =	sdelay $0x1  }
0x72: {  	v3 =	vperm.xlane v3, v2;
	v4 =	vadd.s32 v1, v4;
	_ =	sdelay $0x1  }
0x73: {  	v3 =	vadd.s32 v1, v3;
	_ =	sdelay $0x2  }
0x74: {  	[tilespmem:s23], [sflag:$0x2] =	stream.indirect_vreg.gather [hbm4b:s2+s3], $0x80, v4, vm0, $0xb8;
	[tilespmem:$0x10200] =	vst v63  }
0x75: {  	_ = 	snop  }
0x76: {  	[tilespmem:s8], [sflag:$0x2] =	stream.indirect_vreg.gather [hbm4b:s2+s3], $0x80, v3, vm0, $0xb8;
	[tilespmem:$0x10200] =	vst v63  }
0x77: {  	v3 =	vld [tilespmem:$0x90];
	_ =	sdelay $0x4  }
0x78: {  	v41 =	vshll.u32 v3, $0x1  }
0x79: {  	v3 =	vand.u32 $0x7, v3;
	v4 =	vand.u32 $0xFFFFFFF0, v41  }
0x7a: {  	v3 =	vor.u32 v3, v4  }
0x7b: {  	v4 =	vperm.xlane v3, v0;
	_ =	sdelay $0x1  }
0x7c: {  	v3 =	vperm.xlane v3, v2;
	v4 =	vadd.s32 v1, v4;
	_ =	sdelay $0x1  }
0x7d: {  	v3 =	vadd.s32 v1, v3;
	_ =	sdelay $0x2  }
0x7e: {  	[tilespmem:s9], [sflag:$0x2] =	stream.indirect_vreg.gather [hbm4b:s2+s3], $0x80, v4, vm0, $0xb8;
	[tilespmem:$0x10200] =	vst v63  }
0x7f: {  	_ = 	snop  }
0x80: {  	[tilespmem:s10], [sflag:$0x2] =	stream.indirect_vreg.gather [hbm4b:s2+s3], $0x80, v3, vm0, $0xb8;
	[tilespmem:$0x10200] =	vst v63  }
0x81: {  	v3 =	vld [tilespmem:$0xA0];
	_ =	sdelay $0x4  }
0x82: {  	v42 =	vshll.u32 v3, $0x1  }
0x83: {  	v3 =	vand.u32 $0x7, v3;
	v4 =	vand.u32 $0xFFFFFFF0, v42  }
0x84: {  	v3 =	vor.u32 v3, v4  }
0x85: {  	v4 =	vperm.xlane v3, v0;
	_ =	sdelay $0x1  }
0x86: {  	v3 =	vperm.xlane v3, v2;
	v4 =	vadd.s32 v1, v4;
	_ =	sdelay $0x1  }
0x87: {  	v3 =	vadd.s32 v1, v3;
	_ =	sdelay $0x2  }
0x88: {  	[tilespmem:s11], [sflag:$0x2] =	stream.indirect_vreg.gather [hbm4b:s2+s3], $0x80, v4, vm0, $0xb8;
	[tilespmem:$0x10200] =	vst v63  }
0x89: {  	s12 =	simm.s32 $0xAA00  }
0x8a: {  	[tilespmem:s12], [sflag:$0x2] =	stream.indirect_vreg.gather [hbm4b:s2+s3], $0x80, v3, vm0, $0xb8;
	[tilespmem:$0x10200] =	vst v63  }
0x8b: {  	v3 =	vld [tilespmem:$0xB0];
	_ =	sdelay $0x4  }
0x8c: {  	v43 =	vshll.u32 v3, $0x1  }
0x8d: {  	v3 =	vand.u32 $0x7, v3;
	v4 =	vand.u32 $0xFFFFFFF0, v43  }
0x8e: {  	v3 =	vor.u32 v3, v4  }
0x8f: {  	v4 =	vperm.xlane v3, v0;
	_ =	sdelay $0x1  }
0x90: {  	v3 =	vperm.xlane v3, v2;
	v4 =	vadd.s32 v1, v4;
	_ =	sdelay $0x1  }
0x91: {  	v3 =	vadd.s32 v1, v3;
	_ =	sdelay $0x2  }
0x92: {  	[tilespmem:s13], [sflag:$0x2] =	stream.indirect_vreg.gather [hbm4b:s2+s3], $0x80, v4, vm0, $0xb8;
	[tilespmem:$0x10200] =	vst v63  }
0x93: {  	_ = 	snop  }
0x94: {  	[tilespmem:s14], [sflag:$0x2] =	stream.indirect_vreg.gather [hbm4b:s2+s3], $0x80, v3, vm0, $0xb8;
	[tilespmem:$0x10200] =	vst v63  }
0x95: {  	v3 =	vld [tilespmem:$0xC0];
	_ =	sdelay $0x4  }
0x96: {  	v44 =	vshll.u32 v3, $0x1  }
0x97: {  	v3 =	vand.u32 $0x7, v3;
	v4 =	vand.u32 $0xFFFFFFF0, v44  }
0x98: {  	v3 =	vor.u32 v3, v4  }
0x99: {  	v4 =	vperm.xlane v3, v0;
	_ =	sdelay $0x1  }
0x9a: {  	v3 =	vperm.xlane v3, v2;
	v4 =	vadd.s32 v1, v4;
	_ =	sdelay $0x1  }
0x9b: {  	v3 =	vadd.s32 v1, v3;
	_ =	sdelay $0x1  }
0x9c: {  	s12 =	simm.s32 $0xC200  }
0x9d: {  	[tilespmem:s12], [sflag:$0x2] =	stream.indirect_vreg.gather [hbm4b:s2+s3], $0x80, v4, vm0, $0xb8;
	[tilespmem:$0x10200] =	vst v63  }
0x9e: {  	_ = 	snop  }
0x9f: {  	[tilespmem:s24], [sflag:$0x2] =	stream.indirect_vreg.gather [hbm4b:s2+s3], $0x80, v3, vm0, $0xb8;
	[tilespmem:$0x10200] =	vst v63  }
0xa0: {  	v3 =	vld [tilespmem:$0xD0];
	_ =	sdelay $0x4  }
0xa1: {  	v45 =	vshll.u32 v3, $0x1  }
0xa2: {  	v3 =	vand.u32 $0x7, v3;
	v4 =	vand.u32 $0xFFFFFFF0, v45  }
0xa3: {  	v3 =	vor.u32 v3, v4  }
0xa4: {  	v4 =	vperm.xlane v3, v0;
	_ =	sdelay $0x1  }
0xa5: {  	v3 =	vperm.xlane v3, v2;
	v4 =	vadd.s32 v1, v4;
	_ =	sdelay $0x1  }
0xa6: {  	v3 =	vadd.s32 v1, v3;
	_ =	sdelay $0x1  }
0xa7: {  	s12 =	simm.s32 $0xD200  }
0xa8: {  	[tilespmem:s12], [sflag:$0x2] =	stream.indirect_vreg.gather [hbm4b:s2+s3], $0x80, v4, vm0, $0xb8;
	[tilespmem:$0x10200] =	vst v63  }
0xa9: {  	s12 =	simm.s32 $0xDA00  }
0xaa: {  	[tilespmem:s12], [sflag:$0x2] =	stream.indirect_vreg.gather [hbm4b:s2+s3], $0x80, v3, vm0, $0xb8;
	[tilespmem:$0x10200] =	vst v63  }
0xab: {  	v3 =	vld [tilespmem:$0xE0];
	_ =	sdelay $0x4  }
0xac: {  	v46 =	vshll.u32 v3, $0x1  }
0xad: {  	v3 =	vand.u32 $0x7, v3;
	v4 =	vand.u32 $0xFFFFFFF0, v46  }
0xae: {  	v3 =	vor.u32 v3, v4  }
0xaf: {  	v4 =	vperm.xlane v3, v0;
	_ =	sdelay $0x1  }
0xb0: {  	v3 =	vperm.xlane v3, v2;
	v4 =	vadd.s32 v1, v4;
	_ =	sdelay $0x1  }
0xb1: {  	v3 =	vadd.s32 v1, v3;
	_ =	sdelay $0x1  }
0xb2: {  	s12 =	simm.s32 $0xE200  }
0xb3: {  	[tilespmem:s12], [sflag:$0x2] =	stream.indirect_vreg.gather [hbm4b:s2+s3], $0x80, v4, vm0, $0xb8;
	[tilespmem:$0x10200] =	vst v63  }
0xb4: {  	s12 =	simm.s32 $0xEA00  }
0xb5: {  	[tilespmem:s12], [sflag:$0x2] =	stream.indirect_vreg.gather [hbm4b:s2+s3], $0x80, v3, vm0, $0xb8;
	[tilespmem:$0x10200] =	vst v63  }
0xb6: {  	v3 =	vld [tilespmem:$0xF0];
	_ =	sdelay $0x4  }
0xb7: {  	v47 =	vshll.u32 v3, $0x1  }
0xb8: {  	v3 =	vand.u32 $0x7, v3;
	v4 =	vand.u32 $0xFFFFFFF0, v47  }
0xb9: {  	v3 =	vor.u32 v3, v4  }
0xba: {  	v4 =	vperm.xlane v3, v0;
	_ =	sdelay $0x1  }
0xbb: {  	v3 =	vperm.xlane v3, v2;
	v4 =	vadd.s32 v1, v4;
	_ =	sdelay $0x1  }
0xbc: {  	v3 =	vadd.s32 v1, v3;
	_ =	sdelay $0x1  }
0xbd: {  	s12 =	simm.s32 $0xF200  }
0xbe: {  	[tilespmem:s12], [sflag:$0x2] =	stream.indirect_vreg.gather [hbm4b:s2+s3], $0x80, v4, vm0, $0xb8;
	[tilespmem:$0x10200] =	vst v63  }
0xbf: {  	s12 =	simm.s32 $0xFA00  }
0xc0: {  	[tilespmem:s12], [sflag:$0x2] =	stream.indirect_vreg.gather [hbm4b:s2+s3], $0x80, v3, vm0, $0xb8;
	[tilespmem:$0x10200] =	vst v63  }
0xc1: {  	s12 =	rddreg [dreg:$0x8]  }
0xc2: {  	[hbm4b:s12+s3] =	stream.linear.scatter [tilespmem:s15], [sflag:$0x3], $0x8000, $0x38;
	[tilespmem:$0x10200] =	vst v63  }
0xc3: {  	_ =	swait.ge [sflag:s6], $0x8000  }
0xc4: {  	[sflag:s6] =	ssyncset.done $0x0  }
0xc5: {  	[sflag:s6] =	ssyncadd.s32 $0xFFFF8000  }
0xc6: {  	_ =	swait.ge [sflag:s7], $0x8000  }
0xc7: {  	[sflag:s7] =	ssyncset.done $0x0  }
0xc8: {  	[sflag:s7] =	ssyncadd.s32 $0xFFFF8000  }
0xc9: {  	v3 =	vld [tilespmem:$0x100];
	_ =	sdelay $0x4  }
0xca: {  	v48 =	vshll.u32 v3, $0x1  }
0xcb: {  	v3 =	vand.u32 $0x7, v3;
	v4 =	vand.u32 $0xFFFFFFF0, v48  }
0xcc: {  	v3 =	vor.u32 v3, v4  }
0xcd: {  	v4 =	vperm.xlane v3, v0;
	_ =	sdelay $0x1  }
0xce: {  	v3 =	vperm.xlane v3, v2;
	v4 =	vadd.s32 v1, v4;
	_ =	sdelay $0x1  }
0xcf: {  	v3 =	vadd.s32 v1, v3;
	_ =	sdelay $0x2  }
0xd0: {  	[tilespmem:s15], [sflag:$0x1] =	stream.indirect_vreg.gather [hbm4b:s2+s3], $0x80, v4, vm0, $0xb8;
	[tilespmem:$0x10200] =	vst v63  }
0xd1: {  	_ = 	snop  }
0xd2: {  	[tilespmem:s16], [sflag:$0x1] =	stream.indirect_vreg.gather [hbm4b:s2+s3], $0x80, v3, vm0, $0xb8;
	[tilespmem:$0x10200] =	vst v63  }
0xd3: {  	v3 =	vld [tilespmem:$0x110];
	_ =	sdelay $0x4  }
0xd4: {  	v49 =	vshll.u32 v3, $0x1  }
0xd5: {  	v3 =	vand.u32 $0x7, v3;
	v4 =	vand.u32 $0xFFFFFFF0, v49  }
0xd6: {  	v3 =	vor.u32 v3, v4  }
0xd7: {  	v4 =	vperm.xlane v3, v0;
	_ =	sdelay $0x1  }
0xd8: {  	v3 =	vperm.xlane v3, v2;
	v4 =	vadd.s32 v1, v4;
	_ =	sdelay $0x1  }
0xd9: {  	v3 =	vadd.s32 v1, v3;
	_ =	sdelay $0x2  }
0xda: {  	[tilespmem:s17], [sflag:$0x1] =	stream.indirect_vreg.gather [hbm4b:s2+s3], $0x80, v4, vm0, $0xb8;
	[tilespmem:$0x10200] =	vst v63  }
0xdb: {  	_ = 	snop  }
0xdc: {  	[tilespmem:s18], [sflag:$0x1] =	stream.indirect_vreg.gather [hbm4b:s2+s3], $0x80, v3, vm0, $0xb8;
	[tilespmem:$0x10200] =	vst v63  }
0xdd: {  	v3 =	vld [tilespmem:$0x120];
	_ =	sdelay $0x4  }
0xde: {  	v50 =	vshll.u32 v3, $0x1  }
0xdf: {  	v3 =	vand.u32 $0x7, v3;
	v4 =	vand.u32 $0xFFFFFFF0, v50  }
0xe0: {  	v3 =	vor.u32 v3, v4  }
0xe1: {  	v4 =	vperm.xlane v3, v0;
	_ =	sdelay $0x1  }
0xe2: {  	v3 =	vperm.xlane v3, v2;
	v4 =	vadd.s32 v1, v4;
	_ =	sdelay $0x1  }
0xe3: {  	v3 =	vadd.s32 v1, v3;
	_ =	sdelay $0x2  }
0xe4: {  	[tilespmem:s19], [sflag:$0x1] =	stream.indirect_vreg.gather [hbm4b:s2+s3], $0x80, v4, vm0, $0xb8;
	[tilespmem:$0x10200] =	vst v63  }
0xe5: {  	_ = 	snop  }
0xe6: {  	[tilespmem:s20], [sflag:$0x1] =	stream.indirect_vreg.gather [hbm4b:s2+s3], $0x80, v3, vm0, $0xb8;
	[tilespmem:$0x10200] =	vst v63  }
0xe7: {  	v3 =	vld [tilespmem:$0x130];
	_ =	sdelay $0x4  }
0xe8: {  	v51 =	vshll.u32 v3, $0x1  }
0xe9: {  	v3 =	vand.u32 $0x7, v3;
	v4 =	vand.u32 $0xFFFFFFF0, v51  }
0xea: {  	v3 =	vor.u32 v3, v4  }
0xeb: {  	v4 =	vperm.xlane v3, v0;
	_ =	sdelay $0x1  }
0xec: {  	v3 =	vperm.xlane v3, v2;
	v4 =	vadd.s32 v1, v4;
	_ =	sdelay $0x1  }
0xed: {  	v3 =	vadd.s32 v1, v3;
	_ =	sdelay $0x2  }
0xee: {  	[tilespmem:s21], [sflag:$0x1] =	stream.indirect_vreg.gather [hbm4b:s2+s3], $0x80, v4, vm0, $0xb8;
	[tilespmem:$0x10200] =	vst v63  }
0xef: {  	_ = 	snop  }
0xf0: {  	[tilespmem:s22], [sflag:$0x1] =	stream.indirect_vreg.gather [hbm4b:s2+s3], $0x80, v3, vm0, $0xb8;
	[tilespmem:$0x10200] =	vst v63  }
0xf1: {  	v3 =	vld [tilespmem:$0x140];
	_ =	sdelay $0x4  }
0xf2: {  	v52 =	vshll.u32 v3, $0x1  }
0xf3: {  	v3 =	vand.u32 $0x7, v3;
	v4 =	vand.u32 $0xFFFFFFF0, v52  }
0xf4: {  	v3 =	vor.u32 v3, v4  }
0xf5: {  	v4 =	vperm.xlane v3, v0;
	_ =	sdelay $0x1  }
0xf6: {  	v3 =	vperm.xlane v3, v2;
	v4 =	vadd.s32 v1, v4;
	_ =	sdelay $0x1  }
0xf7: {  	v3 =	vadd.s32 v1, v3;
	_ =	sdelay $0x2  }
0xf8: {  	[tilespmem:s25], [sflag:$0x1] =	stream.indirect_vreg.gather [hbm4b:s2+s3], $0x80, v4, vm0, $0xb8;
	[tilespmem:$0x10200] =	vst v63  }
0xf9: {  	_ = 	snop  }
0xfa: {  	[tilespmem:s26], [sflag:$0x1] =	stream.indirect_vreg.gather [hbm4b:s2+s3], $0x80, v3, vm0, $0xb8;
	[tilespmem:$0x10200] =	vst v63  }
0xfb: {  	v3 =	vld [tilespmem:$0x150];
	_ =	sdelay $0x4  }
0xfc: {  	v53 =	vshll.u32 v3, $0x1  }
0xfd: {  	v3 =	vand.u32 $0x7, v3;
	v4 =	vand.u32 $0xFFFFFFF0, v53  }
0xfe: {  	v3 =	vor.u32 v3, v4  }
0xff: {  	v4 =	vperm.xlane v3, v0;
	_ =	sdelay $0x1  }
0x100: {  	v3 =	vperm.xlane v3, v2;
	v4 =	vadd.s32 v1, v4;
	_ =	sdelay $0x1  }
0x101: {  	v3 =	vadd.s32 v1, v3;
	_ =	sdelay $0x2  }
0x102: {  	[tilespmem:s28], [sflag:$0x1] =	stream.indirect_vreg.gather [hbm4b:s2+s3], $0x80, v4, vm0, $0xb8;
	[tilespmem:$0x10200] =	vst v63  }
0x103: {  	_ = 	snop  }
0x104: {  	[tilespmem:s29], [sflag:$0x1] =	stream.indirect_vreg.gather [hbm4b:s2+s3], $0x80, v3, vm0, $0xb8;
	[tilespmem:$0x10200] =	vst v63  }
0x105: {  	v3 =	vld [tilespmem:$0x160];
	_ =	sdelay $0x4  }
0x106: {  	v54 =	vshll.u32 v3, $0x1  }
0x107: {  	v3 =	vand.u32 $0x7, v3;
	v4 =	vand.u32 $0xFFFFFFF0, v54  }
0x108: {  	v3 =	vor.u32 v3, v4  }
0x109: {  	v4 =	vperm.xlane v3, v0;
	_ =	sdelay $0x1  }
0x10a: {  	v3 =	vperm.xlane v3, v2;
	v4 =	vadd.s32 v1, v4;
	_ =	sdelay $0x1  }
0x10b: {  	v3 =	vadd.s32 v1, v3;
	_ =	sdelay $0x2  }
0x10c: {  	[tilespmem:s30], [sflag:$0x1] =	stream.indirect_vreg.gather [hbm4b:s2+s3], $0x80, v4, vm0, $0xb8;
	[tilespmem:$0x10200] =	vst v63  }
0x10d: {  	_ = 	snop  }
0x10e: {  	[tilespmem:s31], [sflag:$0x1] =	stream.indirect_vreg.gather [hbm4b:s2+s3], $0x80, v3, vm0, $0xb8;
	[tilespmem:$0x10200] =	vst v63  }
0x10f: {  	v3 =	vld [tilespmem:$0x170];
	_ =	sdelay $0x4  }
0x110: {  	v55 =	vshll.u32 v3, $0x1  }
0x111: {  	v3 =	vand.u32 $0x7, v3;
	v4 =	vand.u32 $0xFFFFFFF0, v55  }
0x112: {  	v3 =	vor.u32 v3, v4  }
0x113: {  	v4 =	vperm.xlane v3, v0;
	_ =	sdelay $0x1  }
0x114: {  	v3 =	vperm.xlane v3, v2;
	v4 =	vadd.s32 v1, v4;
	_ =	sdelay $0x1  }
0x115: {  	v3 =	vadd.s32 v1, v3;
	_ =	sdelay $0x2  }
0x116: {  	[tilespmem:s1], [sflag:$0x1] =	stream.indirect_vreg.gather [hbm4b:s2+s3], $0x80, v4, vm0, $0xb8;
	[tilespmem:$0x10200] =	vst v63  }
0x117: {  	_ = 	snop  }
0x118: {  	[tilespmem:s4], [sflag:$0x1] =	stream.indirect_vreg.gather [hbm4b:s2+s3], $0x80, v3, vm0, $0xb8;
	[tilespmem:$0x10200] =	vst v63  }
0x119: {  	s16 =	rddreg [dreg:$0x5]  }
0x11a: {  	[hbm4b:s16+s3] =	stream.linear.scatter [tilespmem:s23], [sflag:$0x3], $0x8000, $0x38;
	[tilespmem:$0x10200] =	vst v63  }
0x11b: {  	_ =	swait.ge [sflag:s6], $0x8000  }
0x11c: {  	[sflag:s6] =	ssyncset.done $0x0  }
0x11d: {  	[sflag:s6] =	ssyncadd.s32 $0xFFFF8000  }
0x11e: {  	_ =	swait.ge [sflag:s0], $0x8000  }
0x11f: {  	[sflag:s0] =	ssyncset.done $0x0  }
0x120: {  	[sflag:s0] =	ssyncadd.s32 $0xFFFF8000  }
0x121: {  	v3 =	vld [tilespmem:$0x180];
	_ =	sdelay $0x4  }
0x122: {  	v56 =	vshll.u32 v3, $0x1  }
0x123: {  	v3 =	vand.u32 $0x7, v3;
	v4 =	vand.u32 $0xFFFFFFF0, v56  }
0x124: {  	v3 =	vor.u32 v3, v4  }
0x125: {  	v4 =	vperm.xlane v3, v0;
	_ =	sdelay $0x1  }
0x126: {  	v3 =	vperm.xlane v3, v2;
	v4 =	vadd.s32 v1, v4;
	_ =	sdelay $0x1  }
0x127: {  	v3 =	vadd.s32 v1, v3;
	_ =	sdelay $0x2  }
0x128: {  	[tilespmem:s23], [sflag:$0x2] =	stream.indirect_vreg.gather [hbm4b:s2+s3], $0x80, v4, vm0, $0xb8;
	[tilespmem:$0x10200] =	vst v63  }
0x129: {  	_ = 	snop  }
0x12a: {  	[tilespmem:s8], [sflag:$0x2] =	stream.indirect_vreg.gather [hbm4b:s2+s3], $0x80, v3, vm0, $0xb8;
	[tilespmem:$0x10200] =	vst v63  }
0x12b: {  	v3 =	vld [tilespmem:$0x190];
	_ =	sdelay $0x4  }
0x12c: {  	v57 =	vshll.u32 v3, $0x1  }
0x12d: {  	v3 =	vand.u32 $0x7, v3;
	v4 =	vand.u32 $0xFFFFFFF0, v57  }
0x12e: {  	v3 =	vor.u32 v3, v4  }
0x12f: {  	v4 =	vperm.xlane v3, v0;
	_ =	sdelay $0x1  }
0x130: {  	v3 =	vperm.xlane v3, v2;
	v4 =	vadd.s32 v1, v4;
	_ =	sdelay $0x1  }
0x131: {  	v3 =	vadd.s32 v1, v3;
	_ =	sdelay $0x2  }
0x132: {  	[tilespmem:s9], [sflag:$0x2] =	stream.indirect_vreg.gather [hbm4b:s2+s3], $0x80, v4, vm0, $0xb8;
	[tilespmem:$0x10200] =	vst v63  }
0x133: {  	_ = 	snop  }
0x134: {  	[tilespmem:s10], [sflag:$0x2] =	stream.indirect_vreg.gather [hbm4b:s2+s3], $0x80, v3, vm0, $0xb8;
	[tilespmem:$0x10200] =	vst v63  }
0x135: {  	v3 =	vld [tilespmem:$0x1A0];
	_ =	sdelay $0x4  }
0x136: {  	v58 =	vshll.u32 v3, $0x1  }
0x137: {  	v3 =	vand.u32 $0x7, v3;
	v4 =	vand.u32 $0xFFFFFFF0, v58  }
0x138: {  	v3 =	vor.u32 v3, v4  }
0x139: {  	v4 =	vperm.xlane v3, v0;
	_ =	sdelay $0x1  }
0x13a: {  	v3 =	vperm.xlane v3, v2;
	v4 =	vadd.s32 v1, v4;
	_ =	sdelay $0x1  }
0x13b: {  	v3 =	vadd.s32 v1, v3;
	_ =	sdelay $0x2  }
0x13c: {  	[tilespmem:s11], [sflag:$0x2] =	stream.indirect_vreg.gather [hbm4b:s2+s3], $0x80, v4, vm0, $0xb8;
	[tilespmem:$0x10200] =	vst v63  }
0x13d: {  	s16 =	simm.s32 $0xAA00  }
0x13e: {  	[tilespmem:s16], [sflag:$0x2] =	stream.indirect_vreg.gather [hbm4b:s2+s3], $0x80, v3, vm0, $0xb8;
	[tilespmem:$0x10200] =	vst v63  }
0x13f: {  	v3 =	vld [tilespmem:$0x1B0];
	_ =	sdelay $0x4  }
0x140: {  	v59 =	vshll.u32 v3, $0x1  }
0x141: {  	v3 =	vand.u32 $0x7, v3;
	v4 =	vand.u32 $0xFFFFFFF0, v59  }
0x142: {  	v3 =	vor.u32 v3, v4  }
0x143: {  	v4 =	vperm.xlane v3, v0;
	_ =	sdelay $0x1  }
0x144: {  	v3 =	vperm.xlane v3, v2;
	v4 =	vadd.s32 v1, v4;
	_ =	sdelay $0x1  }
0x145: {  	v3 =	vadd.s32 v1, v3;
	_ =	sdelay $0x2  }
0x146: {  	[tilespmem:s13], [sflag:$0x2] =	stream.indirect_vreg.gather [hbm4b:s2+s3], $0x80, v4, vm0, $0xb8;
	[tilespmem:$0x10200] =	vst v63  }
0x147: {  	_ = 	snop  }
0x148: {  	[tilespmem:s14], [sflag:$0x2] =	stream.indirect_vreg.gather [hbm4b:s2+s3], $0x80, v3, vm0, $0xb8;
	[tilespmem:$0x10200] =	vst v63  }
0x149: {  	v3 =	vld [tilespmem:$0x1C0];
	_ =	sdelay $0x4  }
0x14a: {  	v60 =	vshll.u32 v3, $0x1  }
0x14b: {  	v3 =	vand.u32 $0x7, v3;
	v4 =	vand.u32 $0xFFFFFFF0, v60  }
0x14c: {  	v3 =	vor.u32 v3, v4  }
0x14d: {  	v4 =	vperm.xlane v3, v0;
	_ =	sdelay $0x1  }
0x14e: {  	v3 =	vperm.xlane v3, v2;
	v4 =	vadd.s32 v1, v4;
	_ =	sdelay $0x1  }
0x14f: {  	v3 =	vadd.s32 v1, v3;
	_ =	sdelay $0x1  }
0x150: {  	s16 =	simm.s32 $0xC200  }
0x151: {  	[tilespmem:s16], [sflag:$0x2] =	stream.indirect_vreg.gather [hbm4b:s2+s3], $0x80, v4, vm0, $0xb8;
	[tilespmem:$0x10200] =	vst v63  }
0x152: {  	_ = 	snop  }
0x153: {  	[tilespmem:s24], [sflag:$0x2] =	stream.indirect_vreg.gather [hbm4b:s2+s3], $0x80, v3, vm0, $0xb8;
	[tilespmem:$0x10200] =	vst v63  }
0x154: {  	v3 =	vld [tilespmem:$0x1D0];
	_ =	sdelay $0x4  }
0x155: {  	v61 =	vshll.u32 v3, $0x1  }
0x156: {  	v3 =	vand.u32 $0x7, v3;
	v4 =	vand.u32 $0xFFFFFFF0, v61  }
0x157: {  	v3 =	vor.u32 v3, v4  }
0x158: {  	v4 =	vperm.xlane v3, v0;
	_ =	sdelay $0x1  }
0x159: {  	v3 =	vperm.xlane v3, v2;
	v4 =	vadd.s32 v1, v4;
	_ =	sdelay $0x1  }
0x15a: {  	v3 =	vadd.s32 v1, v3;
	_ =	sdelay $0x1  }
0x15b: {  	s16 =	simm.s32 $0xD200  }
0x15c: {  	[tilespmem:s16], [sflag:$0x2] =	stream.indirect_vreg.gather [hbm4b:s2+s3], $0x80, v4, vm0, $0xb8;
	[tilespmem:$0x10200] =	vst v63  }
0x15d: {  	s16 =	simm.s32 $0xDA00  }
0x15e: {  	[tilespmem:s16], [sflag:$0x2] =	stream.indirect_vreg.gather [hbm4b:s2+s3], $0x80, v3, vm0, $0xb8;
	[tilespmem:$0x10200] =	vst v63  }
0x15f: {  	v3 =	vld [tilespmem:$0x1E0];
	_ =	sdelay $0x4  }
0x160: {  	v62 =	vshll.u32 v3, $0x1  }
0x161: {  	v3 =	vand.u32 $0x7, v3;
	v4 =	vand.u32 $0xFFFFFFF0, v62  }
0x162: {  	v3 =	vor.u32 v3, v4  }
0x163: {  	v4 =	vperm.xlane v3, v0;
	_ =	sdelay $0x1  }
0x164: {  	v3 =	vperm.xlane v3, v2;
	v4 =	vadd.s32 v1, v4;
	_ =	sdelay $0x1  }
0x165: {  	v3 =	vadd.s32 v1, v3;
	_ =	sdelay $0x1  }
0x166: {  	s16 =	simm.s32 $0xE200  }
0x167: {  	[tilespmem:s16], [sflag:$0x2] =	stream.indirect_vreg.gather [hbm4b:s2+s3], $0x80, v4, vm0, $0xb8;
	[tilespmem:$0x10200] =	vst v63  }
0x168: {  	s16 =	simm.s32 $0xEA00  }
0x169: {  	[tilespmem:s16], [sflag:$0x2] =	stream.indirect_vreg.gather [hbm4b:s2+s3], $0x80, v3, vm0, $0xb8;
	[tilespmem:$0x10200] =	vst v63  }
0x16a: {  	v3 =	vld [tilespmem:$0x1F0];
	_ =	sdelay $0x4  }
0x16b: {  	v63 =	vshll.u32 v3, $0x1  }
0x16c: {  	v3 =	vand.u32 $0x7, v3;
	v4 =	vand.u32 $0xFFFFFFF0, v63  }
0x16d: {  	v3 =	vor.u32 v3, v4  }
0x16e: {  	v4 =	vperm.xlane v3, v0;
	_ =	sdelay $0x1  }
0x16f: {  	v3 =	vperm.xlane v3, v2;
	v4 =	vadd.s32 v1, v4;
	_ =	sdelay $0x1  }
0x170: {  	v3 =	vadd.s32 v1, v3;
	_ =	sdelay $0x1  }
0x171: {  	s16 =	simm.s32 $0xF200  }
0x172: {  	[tilespmem:s16], [sflag:$0x2] =	stream.indirect_vreg.gather [hbm4b:s2+s3], $0x80, v4, vm0, $0xb8;
	[tilespmem:$0x10200] =	vst v63  }
0x173: {  	s0 =	simm.s32 $0xFA00  }
0x174: {  	[tilespmem:s0], [sflag:$0x2] =	stream.indirect_vreg.gather [hbm4b:s2+s3], $0x80, v3, vm0, $0xb8;
	[tilespmem:$0x10200] =	vst v63  }
0x175: {  	s12 =	simm.s32 $0x200;
	s16 =	rddreg [dreg:$0x6]  }
0x176: {  	[hbm4b:s16+s3] =	stream.linear.scatter [tilespmem:s12], [sflag:$0x3], $0x8000, $0x38;
	[tilespmem:$0x10200] =	vst v63  }
0x177: {  	_ =	swait.ge [sflag:s6], $0x8000  }
0x178: {  	[sflag:s6] =	ssyncset.done $0x0  }
0x179: {  	[sflag:s6] =	ssyncadd.s32 $0xFFFF8000  }
0x17a: {  	_ =	swait.ge [sflag:s7], $0x8000  }
0x17b: {  	p0 =	sne.s32 s5, $0x1;
	[sflag:s7] =	ssyncset.done $0x0  }
.Ltmp0:
0x17c: {  	s12 =	rddreg [dreg:$0x7];
	[sflag:s7] =	ssyncadd.s32 $0xFFFF8000;
	(pc) =	sbr.rel @p0 .LBB2_1-.Ltmp0, $4  }
0x17d: {  	[hbm4b:s12+s3] =	stream.linear.scatter [tilespmem:s23], [sflag:$0x3], $0x8000, $0x38;
	[tilespmem:$0x10200] =	vst v63  }
0x17e: {  	_ =	swait.ge [sflag:s6], $0x8000  }
0x17f: {  	[sflag:s6] =	ssyncset.done $0x0  }
0x180: {  	s5 =	sadd.s32 $0xFFFFFFFF, s5;
	[sflag:s6] =	ssyncadd.s32 $0xFFFF8000  }
0x181: {  	_ =	sfence.sel $0x180000  }
0x182: {  	[bflag:$0x0] =	sbarrier.arrive $0xFFFF  }
0x183: {  	_ =	strace $0x90000047  }
0x184: {  	s0 =	stileid.u32;
	[bflag:$0x2] =	sbarrier.arrive $0xFFFF  }
0x185: {  	p0 =	sne.s32 s0, $0x0;
	s0 =	rddreg [dreg:$0x3]  }
0x186: {  	s0 =	sadd.s32 @!p0 $0x100000, s0  }
0x187: {  	[sflag:s0] =	ssyncadd.tile.s32 @!p0 $0x1;
	_ =	shalt  }
.Lfunc_end2:
_tile_overlayer_lowered:
.L_overlay_start_2:
0x188: {  	(tag) =	ssettag $0x2  }
0x189: {  	s0 =	rddreg [dreg:$0x0];
	s2 =	stileid.u32  }
0x18a: {  	s1 =	rddreg [dreg:$0x1];
	p0 =	sne.s32 s2, $0x0  }
0x18b: {  	s3 =	rddreg [dreg:$0x2];
	[bflag:$0x3] =	sbarrier.arrive $0xFFFF;
	s2 =	simm.s32 @!p0 $0x1C03  }
0x18c: {  	[timem:s3], [sflag:s2] =	dma.local @!p0 [hbm:s0], s1  }
0x18d: {  	s0 =	simm.s32 @!p0 $0x3  }
0x18e: {  	_ =	swait.ge @!p0 [sflag:s0], s1  }
0x18f: {  	s1 =	ssub.s32 @!p0 $0x0, s1;
	[sflag:s0] =	ssyncset.done @!p0 $0x0  }
0x190: {  	[sflag:s0] =	ssyncadd.s32 @!p0 s1  }
0x191: {  	[bflag:$0x3] =	sbarrier.arrive $0xFFFF  }
0x192: {  	_ =	shalt  }

</sc_bundles>
